<compile_context>
chip_gen: v7x
topology: tpu7x:2x2x1
jax: 0.10.2.dev20260603
libtpu: 0.0.44.dev20260713+nightly
codegen_flags: <defaults>
</compile_context>

<pallas_src>
import functools

import jax
import jax.numpy as jnp
from jax import lax
from jax.experimental import pallas as pl
from jax.experimental.pallas import tpu as pltpu
from jax.experimental.pallas import tpu_sc as plsc

N_NODES = 10000
D_FEAT = 128
N_EDGES = 320000
D_HALF = D_FEAT // 2

NC = 2
NS = 16
NW = NC * NS
CHUNK = 80
EPT = N_EDGES // NW
NCH = EPT // CHUNK
N_PAD = 10240
RPT = N_PAD // NS
HPT = RPT // 2
CW = 16
BLK = 1280

_MESH = dict(core_axis_name="c", subcore_axis_name="s")


def _sc_feature_sum(x, src_i, dst_i, zfeat):

  @functools.partial(
      pl.kernel,
      out_type=jax.ShapeDtypeStruct((NC * N_PAD, D_FEAT), jnp.float32),
      mesh=plsc.VectorSubcoreMesh(**_MESH),
      scratch_types=(
          pltpu.VMEM_SHARED((N_PAD, D_FEAT), jnp.float32),
          pltpu.VMEM((CHUNK,), jnp.int32),
          pltpu.VMEM((CHUNK,), jnp.int32),
          pltpu.VMEM((CHUNK, D_FEAT), jnp.float32),
          pltpu.SemaphoreType.DMA,
      ),
  )
  def agg(x_hbm, src_hbm, dst_hbm, zf_hbm, summed_hbm,
          acc, src_v, dst_v, rows_v, sem):
    c = lax.axis_index("c")
    s = lax.axis_index("s")
    wid = c * NS + s
    r0 = s * RPT

    for t in range(RPT // HPT):
      pltpu.sync_copy(zf_hbm, acc.at[pl.ds(r0 + t * HPT, HPT)])

    plsc.subcore_barrier()

    def step(k, carry):
      e0 = wid * EPT + k * CHUNK
      pltpu.sync_copy(src_hbm.at[pl.ds(e0, CHUNK)], src_v)
      pltpu.sync_copy(dst_hbm.at[pl.ds(e0, CHUNK)], dst_v)
      pltpu.async_copy(x_hbm.at[src_v], rows_v, sem).wait()
      pltpu.sync_copy(rows_v, acc.at[dst_v], add=True)
      return carry
    lax.fori_loop(0, NCH, step, 0)

    plsc.subcore_barrier()

    pltpu.sync_copy(acc.at[pl.ds(r0, RPT)],
                    summed_hbm.at[pl.ds(c * N_PAD + r0, RPT)])

  return agg(x, src_i, dst_i, zfeat)


def _sc_counts(dst_i, zcnt, ones_blk):

  @functools.partial(
      pl.kernel,
      out_type=jax.ShapeDtypeStruct((NC * N_PAD, CW), jnp.float32),
      mesh=plsc.VectorSubcoreMesh(**_MESH),
      scratch_types=(
          pltpu.VMEM_SHARED((N_PAD, CW), jnp.float32),
          pltpu.VMEM((CHUNK,), jnp.int32),
          pltpu.VMEM((CHUNK, CW), jnp.float32),
      ),
  )
  def agg(dst_hbm, zc_hbm, ones_hbm, cnt_hbm, cnt, dst_v, ones_v):
    c = lax.axis_index("c")
    s = lax.axis_index("s")
    wid = c * NS + s
    r0 = s * RPT

    pltpu.sync_copy(ones_hbm, ones_v)
    pltpu.sync_copy(zc_hbm, cnt.at[pl.ds(r0, RPT)])

    plsc.subcore_barrier()

    def step(k, carry):
      e0 = wid * EPT + k * CHUNK
      pltpu.sync_copy(dst_hbm.at[pl.ds(e0, CHUNK)], dst_v)
      pltpu.sync_copy(ones_v, cnt.at[dst_v], add=True)
      return carry
    lax.fori_loop(0, NCH, step, 0)

    plsc.subcore_barrier()

    pltpu.sync_copy(cnt.at[pl.ds(r0, RPT)],
                    cnt_hbm.at[pl.ds(c * N_PAD + r0, RPT)])

  return agg(dst_i, zcnt, ones_blk)


def _tc_post(x, summed2, cnt2, W1, b1, W2, b2, gamma, beta):

  def body(x_ref, s2_ref, c2_ref, w1_ref, b1_ref, w2_ref, b2_ref, g_ref,
           be_ref, o_ref):
    xb = x_ref[...]
    summed = s2_ref[0] + s2_ref[1]
    counts = c2_ref[0, :, 0:1] + c2_ref[1, :, 0:1]
    local_mean = summed / jnp.maximum(counts, 1.0)
    diff = xb - local_mean
    fd = jnp.tanh(jnp.sqrt(jnp.sum(diff * diff, axis=1, keepdims=True)))
    h = jnp.maximum(
        jnp.dot(xb, w1_ref[...], preferred_element_type=jnp.float32)
        + b1_ref[...], 0.0)
    enh = jnp.dot(h, w2_ref[...], preferred_element_type=jnp.float32) \
        + b2_ref[...]
    y = xb + (0.2 * enh) * fd
    mu = jnp.mean(y, axis=1, keepdims=True)
    var = jnp.mean((y - mu) * (y - mu), axis=1, keepdims=True)
    o_ref[...] = (y - mu) * lax.rsqrt(var + 1e-5) * g_ref[...] + be_ref[...]

  grid = (N_PAD // BLK,)
  return pl.pallas_call(
      body,
      grid=grid,
      in_specs=[
          pl.BlockSpec((BLK, D_FEAT), lambda i: (i, 0)),
          pl.BlockSpec((NC, BLK, D_FEAT), lambda i: (0, i, 0)),
          pl.BlockSpec((NC, BLK, CW), lambda i: (0, i, 0)),
          pl.BlockSpec((D_FEAT, D_HALF), lambda i: (0, 0)),
          pl.BlockSpec((1, D_HALF), lambda i: (0, 0)),
          pl.BlockSpec((D_HALF, D_FEAT), lambda i: (0, 0)),
          pl.BlockSpec((1, D_FEAT), lambda i: (0, 0)),
          pl.BlockSpec((1, D_FEAT), lambda i: (0, 0)),
          pl.BlockSpec((1, D_FEAT), lambda i: (0, 0)),
      ],
      out_specs=pl.BlockSpec((BLK, D_FEAT), lambda i: (i, 0)),
      out_shape=jax.ShapeDtypeStruct((N_PAD, D_FEAT), jnp.float32),
  )(x, summed2, cnt2, W1, b1.reshape(1, -1), W2, b2.reshape(1, -1),
    gamma.reshape(1, -1), beta.reshape(1, -1))


def kernel(x, edge_index, W1, b1, W2, b2, gamma, beta):
  src_i = edge_index[0]
  dst_i = edge_index[1]
  zfeat = jnp.zeros((HPT, D_FEAT), jnp.float32)
  zcnt = jnp.zeros((RPT, CW), jnp.float32)
  ones_blk = jnp.ones((CHUNK, CW), jnp.float32)
  summed = _sc_feature_sum(x, src_i, dst_i, zfeat)
  cnts = _sc_counts(dst_i, zcnt, ones_blk)
  summed2 = summed.reshape(NC, N_PAD, D_FEAT)
  cnt2 = cnts.reshape(NC, N_PAD, CW)
  x_pad = jnp.pad(x, ((0, N_PAD - N_NODES), (0, 0)))
  out = _tc_post(x_pad, summed2, cnt2, W1, b1, W2, b2, gamma, beta)
  return out[:N_NODES]

# --- scband reference (transcript-rebuilt; emitter-appended) ---
"""Pipeline reference for scband-diffuse-enhancer-87162066305745 (READ-ONLY COPY).

The authoritative reference and input builder live on the scoring server;
editing this copy changes nothing except your own understanding.
"""

import jax, jax.numpy as jnp
import numpy as np

N_NODES = 10000
D_FEAT = 128
N_EDGES = 320000

def setup_inputs(seed: int = 0) -> dict:
    key = jax.random.key(seed)
    ks = jax.random.split(key, 9)
    x = jax.random.normal(ks[0], (N_NODES, D_FEAT), dtype=jnp.float32)
    edge_index = jax.random.randint(ks[1], (2, N_EDGES), 0, N_NODES, dtype=jnp.int32)
    d_half = D_FEAT // 2
    # feature_net: Linear(D, D//2) -> ReLU -> Linear(D//2, D); torch Linear init scale ~ 1/sqrt(fan_in)
    W1 = jax.random.uniform(ks[2], (D_FEAT, d_half), dtype=jnp.float32, minval=-1.0, maxval=1.0) / np.sqrt(D_FEAT)
    b1 = jax.random.uniform(ks[3], (d_half,), dtype=jnp.float32, minval=-1.0, maxval=1.0) / np.sqrt(D_FEAT)
    W2 = jax.random.uniform(ks[4], (d_half, D_FEAT), dtype=jnp.float32, minval=-1.0, maxval=1.0) / np.sqrt(d_half)
    b2 = jax.random.uniform(ks[5], (D_FEAT,), dtype=jnp.float32, minval=-1.0, maxval=1.0) / np.sqrt(d_half)
    gamma = jnp.ones((D_FEAT,), dtype=jnp.float32)
    beta = jnp.zeros((D_FEAT,), dtype=jnp.float32)
    return {"x": x, "edge_index": edge_index, "W1": W1, "b1": b1, "W2": W2, "b2": b2, "gamma": gamma, "beta": beta}

def reference(x, edge_index, W1, b1, W2, b2, gamma, beta):
    src = edge_index[0]
    dst = edge_index[1]
    n = x.shape[0]
    # DiffuseMP: mean aggregation of source features at destination nodes (PyG source_to_target flow)
    msgs = jnp.take(x, src, axis=0)
    summed = jax.ops.segment_sum(msgs, dst, num_segments=n)
    counts = jax.ops.segment_sum(jnp.ones((src.shape[0],), dtype=x.dtype), dst, num_segments=n)
    local_mean = summed / jnp.maximum(counts, 1.0)[:, None]
    # feature_diff = tanh(||x - local_mean||_2) per node
    feature_diff = jnp.tanh(jnp.linalg.norm(x - local_mean, axis=1, keepdims=True))
    # feature_net: Linear -> ReLU -> Linear
    h = jnp.maximum(x @ W1 + b1, 0.0)
    enhanced = h @ W2 + b2
    alpha = 0.2
    y = x + alpha * enhanced * feature_diff
    # LayerNorm over last dim (eps=1e-5, elementwise affine)
    mu = jnp.mean(y, axis=-1, keepdims=True)
    var = jnp.var(y, axis=-1, keepdims=True)
    out = (y - mu) / jnp.sqrt(var + 1e-5) * gamma + beta
    return out

if __name__ == "__main__":
    import jax
    _d = setup_inputs()
    print(jax.jit(kernel)(*tuple(_d.values())))

</pallas_src>

<mosaic_0001>
#map = affine_map<(d0, d1) -> (0, 0)>
#map1 = affine_map<(d0, d1) -> (0)>
module attributes {stable_mosaic.version = 14 : i64} {
  func.func @agg(%arg0: i32, %arg1: i32, %arg2: memref<10000x128xf32, #tpu.memory_space<hbm>>, %arg3: memref<320000xi32, #tpu.memory_space<hbm>>, %arg4: memref<320000xi32, #tpu.memory_space<hbm>>, %arg5: memref<320x128xf32, #tpu.memory_space<hbm>>, %arg6: memref<20480x128xf32, #tpu.memory_space<hbm>>, %arg7: memref<10240x128xf32, #tpu.memory_space<vmem_shared>>, %arg8: memref<80xi32, #tpu.memory_space<vmem>>, %arg9: memref<80xi32, #tpu.memory_space<vmem>>, %arg10: memref<80x128xf32, #tpu.memory_space<vmem>>, %arg11: memref<!tpu.dma_semaphore, #tpu.memory_space<semaphore_mem>>) attributes {dimension_semantics = [#tpu.dimension_semantics<core_parallel>, #tpu.dimension_semantics<subcore_parallel>], iteration_bounds = array<i64: 2, 16>, scalar_prefetch = 0 : i64, scratch_operands = 5 : i64, tpu.core_type = #tpu.core_type<sc_vector_subcore>, window_params = [{transform_indices = #map}, {transform_indices = #map1}, {transform_indices = #map1}, {transform_indices = #map}, {transform_indices = #map}]} {
    %mul3A = arith.constant 16 : i32
    %mul3A_0 = arith.muli %arg0, %mul3A : i32
    %add3A = arith.addi %mul3A_0, %arg1 : i32
    %mul3A_1 = arith.constant 640 : i32
    %mul3A_2 = arith.muli %arg1, %mul3A_1 : i32
    %add3A_3 = arith.constant 0 : i32
    %add3A_4 = arith.addi %mul3A_2, %add3A_3 : i32
    "tpu.region"() ({
      %run_scoped3A = tpu.sem_alloc : memref<!tpu.dma_semaphore, #tpu.memory_space<semaphore_mem>>
      %dma_start3A = arith.constant 0 : i32
      %dma_start3A_16 = tpu.memref_slice %arg7[%add3A_4, %dma_start3A] : memref<10240x128xf32, #tpu.memory_space<vmem_shared>> -> memref<320x128xf32, #tpu.memory_space<vmem_shared>>
      tpu.enqueue_dma source(%arg5 : memref<320x128xf32, #tpu.memory_space<hbm>>) target(%dma_start3A_16 : memref<320x128xf32, #tpu.memory_space<vmem_shared>>) target_semaphore(%run_scoped3A : memref<!tpu.dma_semaphore, #tpu.memory_space<semaphore_mem>>)
      %dma_wait3A = arith.constant 0 : i32
      %dma_wait3A_17 = tpu.memref_slice %arg7[%add3A_4, %dma_wait3A] : memref<10240x128xf32, #tpu.memory_space<vmem_shared>> -> memref<320x128xf32, #tpu.memory_space<vmem_shared>>
      tpu.wait_dma2 semaphore(%run_scoped3A : memref<!tpu.dma_semaphore, #tpu.memory_space<semaphore_mem>>) src(%arg5 : memref<320x128xf32, #tpu.memory_space<hbm>>) dst(%dma_wait3A_17 : memref<320x128xf32, #tpu.memory_space<vmem_shared>>)
      tpu.yield
    }) : () -> ()
    %add3A_5 = arith.constant 320 : i32
    %add3A_6 = arith.addi %mul3A_2, %add3A_5 : i32
    "tpu.region"() ({
      %run_scoped3A = tpu.sem_alloc : memref<!tpu.dma_semaphore, #tpu.memory_space<semaphore_mem>>
      %dma_start3A = arith.constant 0 : i32
      %dma_start3A_16 = tpu.memref_slice %arg7[%add3A_6, %dma_start3A] : memref<10240x128xf32, #tpu.memory_space<vmem_shared>> -> memref<320x128xf32, #tpu.memory_space<vmem_shared>>
      tpu.enqueue_dma source(%arg5 : memref<320x128xf32, #tpu.memory_space<hbm>>) target(%dma_start3A_16 : memref<320x128xf32, #tpu.memory_space<vmem_shared>>) target_semaphore(%run_scoped3A : memref<!tpu.dma_semaphore, #tpu.memory_space<semaphore_mem>>)
      %dma_wait3A = arith.constant 0 : i32
      %dma_wait3A_17 = tpu.memref_slice %arg7[%add3A_6, %dma_wait3A] : memref<10240x128xf32, #tpu.memory_space<vmem_shared>> -> memref<320x128xf32, #tpu.memory_space<vmem_shared>>
      tpu.wait_dma2 semaphore(%run_scoped3A : memref<!tpu.dma_semaphore, #tpu.memory_space<semaphore_mem>>) src(%arg5 : memref<320x128xf32, #tpu.memory_space<hbm>>) dst(%dma_wait3A_17 : memref<320x128xf32, #tpu.memory_space<vmem_shared>>)
      tpu.yield
    }) : () -> ()
    %barrier3A = arith.constant 0 : index
    tpu.barrier barrier_id(%barrier3A)
    %scan3A = arith.constant 0 : i32
    %scan3A_7 = arith.constant 0 : i32
    %scan3A_8 = arith.constant 125 : i32
    %scan3A_9 = arith.addi %scan3A_7, %scan3A_8 : i32
    %scan3A_10 = arith.constant 1 : i32
    scf.for %scan3A_16 = %scan3A_7 to %scan3A_9 step %scan3A_10  : i32 {
      %mul3A_17 = arith.constant 10000 : i32
      %mul3A_18 = arith.muli %add3A, %mul3A_17 : i32
      %mul3A_19 = arith.constant 80 : i32
      %mul3A_20 = arith.muli %scan3A_16, %mul3A_19 : i32
      %add3A_21 = arith.addi %mul3A_18, %mul3A_20 : i32
      "tpu.region"() ({
        %run_scoped3A = tpu.sem_alloc : memref<!tpu.dma_semaphore, #tpu.memory_space<semaphore_mem>>
        %dma_start3A_26 = tpu.memref_slice %arg3[%add3A_21] : memref<320000xi32, #tpu.memory_space<hbm>> -> memref<80xi32, #tpu.memory_space<hbm>>
        %dma_start3A_27 = tpu.memref_slice %arg3[%add3A_21] : memref<320000xi32, #tpu.memory_space<hbm>> -> memref<80xi32, #tpu.memory_space<hbm>>
        tpu.enqueue_dma source(%dma_start3A_27 : memref<80xi32, #tpu.memory_space<hbm>>) target(%arg8 : memref<80xi32, #tpu.memory_space<vmem>>) target_semaphore(%run_scoped3A : memref<!tpu.dma_semaphore, #tpu.memory_space<semaphore_mem>>)
        %dma_wait3A_28 = tpu.memref_slice %arg3[%add3A_21] : memref<320000xi32, #tpu.memory_space<hbm>> -> memref<80xi32, #tpu.memory_space<hbm>>
        %dma_wait3A_29 = tpu.memref_slice %arg3[%add3A_21] : memref<320000xi32, #tpu.memory_space<hbm>> -> memref<80xi32, #tpu.memory_space<hbm>>
        tpu.wait_dma2 semaphore(%run_scoped3A : memref<!tpu.dma_semaphore, #tpu.memory_space<semaphore_mem>>) src(%dma_wait3A_29 : memref<80xi32, #tpu.memory_space<hbm>>) dst(%arg8 : memref<80xi32, #tpu.memory_space<vmem>>)
        tpu.yield
      }) : () -> ()
      "tpu.region"() ({
        %run_scoped3A = tpu.sem_alloc : memref<!tpu.dma_semaphore, #tpu.memory_space<semaphore_mem>>
        %dma_start3A_26 = tpu.memref_slice %arg4[%add3A_21] : memref<320000xi32, #tpu.memory_space<hbm>> -> memref<80xi32, #tpu.memory_space<hbm>>
        %dma_start3A_27 = tpu.memref_slice %arg4[%add3A_21] : memref<320000xi32, #tpu.memory_space<hbm>> -> memref<80xi32, #tpu.memory_space<hbm>>
        tpu.enqueue_dma source(%dma_start3A_27 : memref<80xi32, #tpu.memory_space<hbm>>) target(%arg9 : memref<80xi32, #tpu.memory_space<vmem>>) target_semaphore(%run_scoped3A : memref<!tpu.dma_semaphore, #tpu.memory_space<semaphore_mem>>)
        %dma_wait3A_28 = tpu.memref_slice %arg4[%add3A_21] : memref<320000xi32, #tpu.memory_space<hbm>> -> memref<80xi32, #tpu.memory_space<hbm>>
        %dma_wait3A_29 = tpu.memref_slice %arg4[%add3A_21] : memref<320000xi32, #tpu.memory_space<hbm>> -> memref<80xi32, #tpu.memory_space<hbm>>
        tpu.wait_dma2 semaphore(%run_scoped3A : memref<!tpu.dma_semaphore, #tpu.memory_space<semaphore_mem>>) src(%dma_wait3A_29 : memref<80xi32, #tpu.memory_space<hbm>>) dst(%arg9 : memref<80xi32, #tpu.memory_space<vmem>>)
        tpu.yield
      }) : () -> ()
      %dma_start3A = arith.constant 0 : i32
      %dma_start3A_22 = arith.constant 0 : i32
      %dma_start3A_23 = tpu.memref_slice %arg2[%dma_start3A, %dma_start3A_22] : memref<10000x128xf32, #tpu.memory_space<hbm>> -> memref<10000x128xf32, #tpu.memory_space<hbm>>
      tpu.enqueue_indirect_dma source(%dma_start3A_23 : memref<10000x128xf32, #tpu.memory_space<hbm>>) target(%arg10 : memref<80x128xf32, #tpu.memory_space<vmem>>) offsets(%arg8 : memref<80xi32, #tpu.memory_space<vmem>>) semaphore(%arg11 : memref<!tpu.dma_semaphore, #tpu.memory_space<semaphore_mem>>)
      %dma_wait3A = arith.constant 0 : i32
      %dma_wait3A_24 = arith.constant 0 : i32
      %dma_wait3A_25 = tpu.memref_slice %arg2[%dma_wait3A, %dma_wait3A_24] : memref<10000x128xf32, #tpu.memory_space<hbm>> -> memref<10000x128xf32, #tpu.memory_space<hbm>>
      tpu.wait_indirect_dma semaphore(%arg11 : memref<!tpu.dma_semaphore, #tpu.memory_space<semaphore_mem>>) src(%dma_wait3A_25 : memref<10000x128xf32, #tpu.memory_space<hbm>>) dst(%arg10 : memref<80x128xf32, #tpu.memory_space<vmem>>)
      "tpu.region"() ({
        %run_scoped3A = tpu.sem_alloc : memref<!tpu.dma_semaphore, #tpu.memory_space<semaphore_mem>>
        %dma_start3A_26 = arith.constant 0 : i32
        %dma_start3A_27 = arith.constant 0 : i32
        %dma_start3A_28 = tpu.memref_slice %arg7[%dma_start3A_26, %dma_start3A_27] : memref<10240x128xf32, #tpu.memory_space<vmem_shared>> -> memref<10240x128xf32, #tpu.memory_space<vmem_shared>>
        tpu.enqueue_indirect_dma source(%arg10 : memref<80x128xf32, #tpu.memory_space<vmem>>) target(%dma_start3A_28 : memref<10240x128xf32, #tpu.memory_space<vmem_shared>>) offsets(%arg9 : memref<80xi32, #tpu.memory_space<vmem>>) semaphore(%run_scoped3A : memref<!tpu.dma_semaphore, #tpu.memory_space<semaphore_mem>>) {add = true}
        %dma_wait3A_29 = arith.constant 0 : i32
        %dma_wait3A_30 = arith.constant 0 : i32
        %dma_wait3A_31 = tpu.memref_slice %arg7[%dma_wait3A_29, %dma_wait3A_30] : memref<10240x128xf32, #tpu.memory_space<vmem_shared>> -> memref<10240x128xf32, #tpu.memory_space<vmem_shared>>
        tpu.wait_indirect_dma semaphore(%run_scoped3A : memref<!tpu.dma_semaphore, #tpu.memory_space<semaphore_mem>>) src(%arg10 : memref<80x128xf32, #tpu.memory_space<vmem>>) dst(%dma_wait3A_31 : memref<10240x128xf32, #tpu.memory_space<vmem_shared>>)
        tpu.yield
      }) : () -> ()
    }
    %scan3A_11 = arith.constant 125 : i32
    %barrier3A_12 = arith.constant 0 : index
    tpu.barrier barrier_id(%barrier3A_12)
    %mul3A_13 = arith.constant 10240 : i32
    %mul3A_14 = arith.muli %arg0, %mul3A_13 : i32
    %add3A_15 = arith.addi %mul3A_14, %mul3A_2 : i32
    "tpu.region"() ({
      %run_scoped3A = tpu.sem_alloc : memref<!tpu.dma_semaphore, #tpu.memory_space<semaphore_mem>>
      %dma_start3A = arith.constant 0 : i32
      %dma_start3A_16 = tpu.memref_slice %arg6[%add3A_15, %dma_start3A] : memref<20480x128xf32, #tpu.memory_space<hbm>> -> memref<640x128xf32, #tpu.memory_space<hbm>>
      %dma_start3A_17 = arith.constant 0 : i32
      %dma_start3A_18 = tpu.memref_slice %arg7[%mul3A_2, %dma_start3A_17] : memref<10240x128xf32, #tpu.memory_space<vmem_shared>> -> memref<640x128xf32, #tpu.memory_space<vmem_shared>>
      tpu.enqueue_dma source(%dma_start3A_18 : memref<640x128xf32, #tpu.memory_space<vmem_shared>>) target(%dma_start3A_16 : memref<640x128xf32, #tpu.memory_space<hbm>>) target_semaphore(%run_scoped3A : memref<!tpu.dma_semaphore, #tpu.memory_space<semaphore_mem>>)
      %dma_wait3A = arith.constant 0 : i32
      %dma_wait3A_19 = tpu.memref_slice %arg6[%add3A_15, %dma_wait3A] : memref<20480x128xf32, #tpu.memory_space<hbm>> -> memref<640x128xf32, #tpu.memory_space<hbm>>
      %dma_wait3A_20 = arith.constant 0 : i32
      %dma_wait3A_21 = tpu.memref_slice %arg7[%mul3A_2, %dma_wait3A_20] : memref<10240x128xf32, #tpu.memory_space<vmem_shared>> -> memref<640x128xf32, #tpu.memory_space<vmem_shared>>
      tpu.wait_dma2 semaphore(%run_scoped3A : memref<!tpu.dma_semaphore, #tpu.memory_space<semaphore_mem>>) src(%dma_wait3A_21 : memref<640x128xf32, #tpu.memory_space<vmem_shared>>) dst(%dma_wait3A_19 : memref<640x128xf32, #tpu.memory_space<hbm>>)
      tpu.yield
    }) : () -> ()
    return
  }
}

#map = affine_map<(d0, d1) -> (0)>
#map1 = affine_map<(d0, d1) -> (0, 0)>
module attributes {stable_mosaic.version = 14 : i64} {
  func.func @agg(%arg0: i32, %arg1: i32, %arg2: memref<320000xi32, #tpu.memory_space<hbm>>, %arg3: memref<640x16xf32, #tpu.memory_space<hbm>>, %arg4: memref<80x16xf32, #tpu.memory_space<hbm>>, %arg5: memref<20480x16xf32, #tpu.memory_space<hbm>>, %arg6: memref<10240x16xf32, #tpu.memory_space<vmem_shared>>, %arg7: memref<80xi32, #tpu.memory_space<vmem>>, %arg8: memref<80x16xf32, #tpu.memory_space<vmem>>) attributes {dimension_semantics = [#tpu.dimension_semantics<core_parallel>, #tpu.dimension_semantics<subcore_parallel>], iteration_bounds = array<i64: 2, 16>, scalar_prefetch = 0 : i64, scratch_operands = 3 : i64, tpu.core_type = #tpu.core_type<sc_vector_subcore>, window_params = [{transform_indices = #map}, {transform_indices = #map1}, {transform_indices = #map1}, {transform_indices = #map1}]} {
    %mul3A = arith.constant 16 : i32
    %mul3A_0 = arith.muli %arg0, %mul3A : i32
    %add3A = arith.addi %mul3A_0, %arg1 : i32
    %mul3A_1 = arith.constant 640 : i32
    %mul3A_2 = arith.muli %arg1, %mul3A_1 : i32
    "tpu.region"() ({
      %run_scoped3A = tpu.sem_alloc : memref<!tpu.dma_semaphore, #tpu.memory_space<semaphore_mem>>
      tpu.enqueue_dma source(%arg4 : memref<80x16xf32, #tpu.memory_space<hbm>>) target(%arg8 : memref<80x16xf32, #tpu.memory_space<vmem>>) target_semaphore(%run_scoped3A : memref<!tpu.dma_semaphore, #tpu.memory_space<semaphore_mem>>)
      tpu.wait_dma2 semaphore(%run_scoped3A : memref<!tpu.dma_semaphore, #tpu.memory_space<semaphore_mem>>) src(%arg4 : memref<80x16xf32, #tpu.memory_space<hbm>>) dst(%arg8 : memref<80x16xf32, #tpu.memory_space<vmem>>)
      tpu.yield
    }) : () -> ()
    "tpu.region"() ({
      %run_scoped3A = tpu.sem_alloc : memref<!tpu.dma_semaphore, #tpu.memory_space<semaphore_mem>>
      %dma_start3A = arith.constant 0 : i32
      %dma_start3A_12 = tpu.memref_slice %arg6[%mul3A_2, %dma_start3A] : memref<10240x16xf32, #tpu.memory_space<vmem_shared>> -> memref<640x16xf32, #tpu.memory_space<vmem_shared>>
      tpu.enqueue_dma source(%arg3 : memref<640x16xf32, #tpu.memory_space<hbm>>) target(%dma_start3A_12 : memref<640x16xf32, #tpu.memory_space<vmem_shared>>) target_semaphore(%run_scoped3A : memref<!tpu.dma_semaphore, #tpu.memory_space<semaphore_mem>>)
      %dma_wait3A = arith.constant 0 : i32
      %dma_wait3A_13 = tpu.memref_slice %arg6[%mul3A_2, %dma_wait3A] : memref<10240x16xf32, #tpu.memory_space<vmem_shared>> -> memref<640x16xf32, #tpu.memory_space<vmem_shared>>
      tpu.wait_dma2 semaphore(%run_scoped3A : memref<!tpu.dma_semaphore, #tpu.memory_space<semaphore_mem>>) src(%arg3 : memref<640x16xf32, #tpu.memory_space<hbm>>) dst(%dma_wait3A_13 : memref<640x16xf32, #tpu.memory_space<vmem_shared>>)
      tpu.yield
    }) : () -> ()
    %barrier3A = arith.constant 0 : index
    tpu.barrier barrier_id(%barrier3A)
    %scan3A = arith.constant 0 : i32
    %scan3A_3 = arith.constant 0 : i32
    %scan3A_4 = arith.constant 125 : i32
    %scan3A_5 = arith.addi %scan3A_3, %scan3A_4 : i32
    %scan3A_6 = arith.constant 1 : i32
    scf.for %scan3A_12 = %scan3A_3 to %scan3A_5 step %scan3A_6  : i32 {
      %mul3A_13 = arith.constant 10000 : i32
      %mul3A_14 = arith.muli %add3A, %mul3A_13 : i32
      %mul3A_15 = arith.constant 80 : i32
      %mul3A_16 = arith.muli %scan3A_12, %mul3A_15 : i32
      %add3A_17 = arith.addi %mul3A_14, %mul3A_16 : i32
      "tpu.region"() ({
        %run_scoped3A = tpu.sem_alloc : memref<!tpu.dma_semaphore, #tpu.memory_space<semaphore_mem>>
        %dma_start3A = tpu.memref_slice %arg2[%add3A_17] : memref<320000xi32, #tpu.memory_space<hbm>> -> memref<80xi32, #tpu.memory_space<hbm>>
        %dma_start3A_18 = tpu.memref_slice %arg2[%add3A_17] : memref<320000xi32, #tpu.memory_space<hbm>> -> memref<80xi32, #tpu.memory_space<hbm>>
        tpu.enqueue_dma source(%dma_start3A_18 : memref<80xi32, #tpu.memory_space<hbm>>) target(%arg7 : memref<80xi32, #tpu.memory_space<vmem>>) target_semaphore(%run_scoped3A : memref<!tpu.dma_semaphore, #tpu.memory_space<semaphore_mem>>)
        %dma_wait3A = tpu.memref_slice %arg2[%add3A_17] : memref<320000xi32, #tpu.memory_space<hbm>> -> memref<80xi32, #tpu.memory_space<hbm>>
        %dma_wait3A_19 = tpu.memref_slice %arg2[%add3A_17] : memref<320000xi32, #tpu.memory_space<hbm>> -> memref<80xi32, #tpu.memory_space<hbm>>
        tpu.wait_dma2 semaphore(%run_scoped3A : memref<!tpu.dma_semaphore, #tpu.memory_space<semaphore_mem>>) src(%dma_wait3A_19 : memref<80xi32, #tpu.memory_space<hbm>>) dst(%arg7 : memref<80xi32, #tpu.memory_space<vmem>>)
        tpu.yield
      }) : () -> ()
      "tpu.region"() ({
        %run_scoped3A = tpu.sem_alloc : memref<!tpu.dma_semaphore, #tpu.memory_space<semaphore_mem>>
        %dma_start3A = arith.constant 0 : i32
        %dma_start3A_18 = arith.constant 0 : i32
        %dma_start3A_19 = tpu.memref_slice %arg6[%dma_start3A, %dma_start3A_18] : memref<10240x16xf32, #tpu.memory_space<vmem_shared>> -> memref<10240x16xf32, #tpu.memory_space<vmem_shared>>
        tpu.enqueue_indirect_dma source(%arg8 : memref<80x16xf32, #tpu.memory_space<vmem>>) target(%dma_start3A_19 : memref<10240x16xf32, #tpu.memory_space<vmem_shared>>) offsets(%arg7 : memref<80xi32, #tpu.memory_space<vmem>>) semaphore(%run_scoped3A : memref<!tpu.dma_semaphore, #tpu.memory_space<semaphore_mem>>) {add = true}
        %dma_wait3A = arith.constant 0 : i32
        %dma_wait3A_20 = arith.constant 0 : i32
        %dma_wait3A_21 = tpu.memref_slice %arg6[%dma_wait3A, %dma_wait3A_20] : memref<10240x16xf32, #tpu.memory_space<vmem_shared>> -> memref<10240x16xf32, #tpu.memory_space<vmem_shared>>
        tpu.wait_indirect_dma semaphore(%run_scoped3A : memref<!tpu.dma_semaphore, #tpu.memory_space<semaphore_mem>>) src(%arg8 : memref<80x16xf32, #tpu.memory_space<vmem>>) dst(%dma_wait3A_21 : memref<10240x16xf32, #tpu.memory_space<vmem_shared>>)
        tpu.yield
      }) : () -> ()
    }
    %scan3A_7 = arith.constant 125 : i32
    %barrier3A_8 = arith.constant 0 : index
    tpu.barrier barrier_id(%barrier3A_8)
    %mul3A_9 = arith.constant 10240 : i32
    %mul3A_10 = arith.muli %arg0, %mul3A_9 : i32
    %add3A_11 = arith.addi %mul3A_10, %mul3A_2 : i32
    "tpu.region"() ({
      %run_scoped3A = tpu.sem_alloc : memref<!tpu.dma_semaphore, #tpu.memory_space<semaphore_mem>>
      %dma_start3A = arith.constant 0 : i32
      %dma_start3A_12 = tpu.memref_slice %arg5[%add3A_11, %dma_start3A] : memref<20480x16xf32, #tpu.memory_space<hbm>> -> memref<640x16xf32, #tpu.memory_space<hbm>>
      %dma_start3A_13 = arith.constant 0 : i32
      %dma_start3A_14 = tpu.memref_slice %arg6[%mul3A_2, %dma_start3A_13] : memref<10240x16xf32, #tpu.memory_space<vmem_shared>> -> memref<640x16xf32, #tpu.memory_space<vmem_shared>>
      tpu.enqueue_dma source(%dma_start3A_14 : memref<640x16xf32, #tpu.memory_space<vmem_shared>>) target(%dma_start3A_12 : memref<640x16xf32, #tpu.memory_space<hbm>>) target_semaphore(%run_scoped3A : memref<!tpu.dma_semaphore, #tpu.memory_space<semaphore_mem>>)
      %dma_wait3A = arith.constant 0 : i32
      %dma_wait3A_15 = tpu.memref_slice %arg5[%add3A_11, %dma_wait3A] : memref<20480x16xf32, #tpu.memory_space<hbm>> -> memref<640x16xf32, #tpu.memory_space<hbm>>
      %dma_wait3A_16 = arith.constant 0 : i32
      %dma_wait3A_17 = tpu.memref_slice %arg6[%mul3A_2, %dma_wait3A_16] : memref<10240x16xf32, #tpu.memory_space<vmem_shared>> -> memref<640x16xf32, #tpu.memory_space<vmem_shared>>
      tpu.wait_dma2 semaphore(%run_scoped3A : memref<!tpu.dma_semaphore, #tpu.memory_space<semaphore_mem>>) src(%dma_wait3A_17 : memref<640x16xf32, #tpu.memory_space<vmem_shared>>) dst(%dma_wait3A_15 : memref<640x16xf32, #tpu.memory_space<hbm>>)
      tpu.yield
    }) : () -> ()
    return
  }
}

module attributes {stable_mosaic.version = 14 : i64} {
  func.func @body(%arg0: i32, %arg1: memref<1280x128xf32, #tpu.memory_space<vmem>>, %arg2: memref<2x1280x128xf32, #tpu.memory_space<vmem>>, %arg3: memref<2x1280x16xf32, #tpu.memory_space<vmem>>, %arg4: memref<128x64xf32, #tpu.memory_space<vmem>>, %arg5: memref<1x64xf32, #tpu.memory_space<vmem>>, %arg6: memref<64x128xf32, #tpu.memory_space<vmem>>, %arg7: memref<1x128xf32, #tpu.memory_space<vmem>>, %arg8: memref<1x128xf32, #tpu.memory_space<vmem>>, %arg9: memref<1x128xf32, #tpu.memory_space<vmem>>, %arg10: memref<1280x128xf32, #tpu.memory_space<vmem>>) attributes {dimension_semantics = [#tpu.dimension_semantics<arbitrary>], iteration_bounds = array<i64: 8>, scalar_prefetch = 0 : i64, scratch_operands = 0 : i64, tpu.core_type = #tpu.core_type<tc>, window_params = [{transform_indices = @transform_0, window_bounds = array<i64: 1280, 128>}, {transform_indices = @transform_1, window_bounds = array<i64: 2, 1280, 128>}, {transform_indices = @transform_2, window_bounds = array<i64: 2, 1280, 16>}, {pipeline_mode = #tpu.pipeline_mode<synchronous>, transform_indices = @transform_3, window_bounds = array<i64: 128, 64>}, {pipeline_mode = #tpu.pipeline_mode<synchronous>, transform_indices = @transform_4, window_bounds = array<i64: 1, 64>}, {pipeline_mode = #tpu.pipeline_mode<synchronous>, transform_indices = @transform_5, window_bounds = array<i64: 64, 128>}, {pipeline_mode = #tpu.pipeline_mode<synchronous>, transform_indices = @transform_6, window_bounds = array<i64: 1, 128>}, {pipeline_mode = #tpu.pipeline_mode<synchronous>, transform_indices = @transform_7, window_bounds = array<i64: 1, 128>}, {pipeline_mode = #tpu.pipeline_mode<synchronous>, transform_indices = @transform_8, window_bounds = array<i64: 1, 128>}, {transform_indices = @transform_9, window_bounds = array<i64: 1280, 128>}]} {
    %get3A = arith.constant 0 : index
    %get3A_0 = arith.constant 0 : index
    %get3A_1 = vector.load %arg1[%get3A, %get3A_0] : memref<1280x128xf32, #tpu.memory_space<vmem>>, vector<1280x128xf32>
    %get3A_2 = arith.constant 0 : index
    %get3A_3 = arith.constant 0 : index
    %get3A_4 = arith.constant 0 : index
    %get3A_5 = vector.load %arg2[%get3A_2, %get3A_3, %get3A_4] : memref<2x1280x128xf32, #tpu.memory_space<vmem>>, vector<1x1280x128xf32>
    %get3A_6 = vector.shape_cast %get3A_5 : vector<1x1280x128xf32> to vector<1280x128xf32>
    %get3A_7 = arith.constant 1 : index
    %get3A_8 = arith.constant 0 : index
    %get3A_9 = arith.constant 0 : index
    %get3A_10 = vector.load %arg2[%get3A_7, %get3A_8, %get3A_9] : memref<2x1280x128xf32, #tpu.memory_space<vmem>>, vector<1x1280x128xf32>
    %get3A_11 = vector.shape_cast %get3A_10 : vector<1x1280x128xf32> to vector<1280x128xf32>
    %add3A = arith.addf %get3A_6, %get3A_11 : vector<1280x128xf32>
    %get3A_12 = arith.constant 0 : index
    %get3A_13 = arith.constant 0 : index
    %get3A_14 = arith.constant 0 : index
    %get3A_15 = vector.load %arg3[%get3A_12, %get3A_13, %get3A_14] : memref<2x1280x16xf32, #tpu.memory_space<vmem>>, vector<1x1280x1xf32>
    %get3A_16 = vector.shape_cast %get3A_15 : vector<1x1280x1xf32> to vector<1280x1xf32>
    %get3A_17 = arith.constant 1 : index
    %get3A_18 = arith.constant 0 : index
    %get3A_19 = arith.constant 0 : index
    %get3A_20 = vector.load %arg3[%get3A_17, %get3A_18, %get3A_19] : memref<2x1280x16xf32, #tpu.memory_space<vmem>>, vector<1x1280x1xf32>
    %get3A_21 = vector.shape_cast %get3A_20 : vector<1x1280x1xf32> to vector<1280x1xf32>
    %add3A_22 = arith.addf %get3A_16, %get3A_21 : vector<1280x1xf32>
    %max3A = arith.constant 1.000000e+00 : f32
    %max3A_23 = vector.broadcast %max3A : f32 to vector<1280x1xf32>
    %max3A_24 = arith.maximumf %add3A_22, %max3A_23 : vector<1280x1xf32>
    %div3A = vector.broadcast %max3A_24 : vector<1280x1xf32> to vector<1280x128xf32>
    %div3A_25 = arith.divf %add3A, %div3A : vector<1280x128xf32>
    %sub3A = arith.subf %get3A_1, %div3A_25 : vector<1280x128xf32>
    %mul3A = arith.mulf %sub3A, %sub3A : vector<1280x128xf32>
    %reduce_sum3A = arith.constant dense<0.000000e+00> : vector<1280xf32>
    %reduce_sum3A_26 = vector.multi_reduction <add>, %mul3A, %reduce_sum3A [1] : vector<1280x128xf32> to vector<1280xf32>
    %broadcast_in_dim3A = vector.shape_cast %reduce_sum3A_26 : vector<1280xf32> to vector<1280x1xf32>
    %sqrt3A = math.sqrt %broadcast_in_dim3A : vector<1280x1xf32>
    %tanh3A = math.tanh %sqrt3A : vector<1280x1xf32>
    %get3A_27 = arith.constant 0 : index
    %get3A_28 = arith.constant 0 : index
    %get3A_29 = vector.load %arg4[%get3A_27, %get3A_28] : memref<128x64xf32, #tpu.memory_space<vmem>>, vector<128x64xf32>
    %dot_general3A = arith.constant dense<0.000000e+00> : vector<1280x64xf32>
    %dot_general3A_30 = tpu.matmul %get3A_1, %get3A_29, %dot_general3A {dimension_numbers = #tpu.dot_dimension_numbers<[1], [0], [0], [1], [0, 0, 1, 1], [], []>, transpose_lhs_hint = false} : vector<1280x128xf32>, vector<128x64xf32>, vector<1280x64xf32> -> vector<1280x64xf32>
    %get3A_31 = arith.constant 0 : index
    %get3A_32 = arith.constant 0 : index
    %get3A_33 = vector.load %arg5[%get3A_31, %get3A_32] : memref<1x64xf32, #tpu.memory_space<vmem>>, vector<1x64xf32>
    %add3A_34 = vector.broadcast %get3A_33 : vector<1x64xf32> to vector<1280x64xf32>
    %add3A_35 = arith.addf %dot_general3A_30, %add3A_34 : vector<1280x64xf32>
    %max3A_36 = arith.constant 0.000000e+00 : f32
    %max3A_37 = vector.broadcast %max3A_36 : f32 to vector<1280x64xf32>
    %max3A_38 = arith.maximumf %add3A_35, %max3A_37 : vector<1280x64xf32>
    %get3A_39 = arith.constant 0 : index
    %get3A_40 = arith.constant 0 : index
    %get3A_41 = vector.load %arg6[%get3A_39, %get3A_40] : memref<64x128xf32, #tpu.memory_space<vmem>>, vector<64x128xf32>
    %dot_general3A_42 = arith.constant dense<0.000000e+00> : vector<1280x128xf32>
    %dot_general3A_43 = tpu.matmul %max3A_38, %get3A_41, %dot_general3A_42 {dimension_numbers = #tpu.dot_dimension_numbers<[1], [0], [0], [1], [0, 0, 1, 1], [], []>, transpose_lhs_hint = false} : vector<1280x64xf32>, vector<64x128xf32>, vector<1280x128xf32> -> vector<1280x128xf32>
    %get3A_44 = arith.constant 0 : index
    %get3A_45 = arith.constant 0 : index
    %get3A_46 = vector.load %arg7[%get3A_44, %get3A_45] : memref<1x128xf32, #tpu.memory_space<vmem>>, vector<1x128xf32>
    %add3A_47 = vector.broadcast %get3A_46 : vector<1x128xf32> to vector<1280x128xf32>
    %add3A_48 = arith.addf %dot_general3A_43, %add3A_47 : vector<1280x128xf32>
    %mul3A_49 = arith.constant 2.000000e-01 : f32
    %mul3A_50 = vector.broadcast %mul3A_49 : f32 to vector<1280x128xf32>
    %mul3A_51 = arith.mulf %mul3A_50, %add3A_48 : vector<1280x128xf32>
    %mul3A_52 = vector.broadcast %tanh3A : vector<1280x1xf32> to vector<1280x128xf32>
    %mul3A_53 = arith.mulf %mul3A_51, %mul3A_52 : vector<1280x128xf32>
    %add3A_54 = arith.addf %get3A_1, %mul3A_53 : vector<1280x128xf32>
    %reduce_sum3A_55 = arith.constant dense<0.000000e+00> : vector<1280xf32>
    %reduce_sum3A_56 = vector.multi_reduction <add>, %add3A_54, %reduce_sum3A_55 [1] : vector<1280x128xf32> to vector<1280xf32>
    %broadcast_in_dim3A_57 = vector.shape_cast %reduce_sum3A_56 : vector<1280xf32> to vector<1280x1xf32>
    %div3A_58 = arith.constant 1.280000e+02 : f32
    %div3A_59 = vector.broadcast %div3A_58 : f32 to vector<1280x1xf32>
    %div3A_60 = arith.divf %broadcast_in_dim3A_57, %div3A_59 : vector<1280x1xf32>
    %sub3A_61 = vector.broadcast %div3A_60 : vector<1280x1xf32> to vector<1280x128xf32>
    %sub3A_62 = arith.subf %add3A_54, %sub3A_61 : vector<1280x128xf32>
    %sub3A_63 = vector.broadcast %div3A_60 : vector<1280x1xf32> to vector<1280x128xf32>
    %sub3A_64 = arith.subf %add3A_54, %sub3A_63 : vector<1280x128xf32>
    %mul3A_65 = arith.mulf %sub3A_62, %sub3A_64 : vector<1280x128xf32>
    %reduce_sum3A_66 = arith.constant dense<0.000000e+00> : vector<1280xf32>
    %reduce_sum3A_67 = vector.multi_reduction <add>, %mul3A_65, %reduce_sum3A_66 [1] : vector<1280x128xf32> to vector<1280xf32>
    %broadcast_in_dim3A_68 = vector.shape_cast %reduce_sum3A_67 : vector<1280xf32> to vector<1280x1xf32>
    %div3A_69 = arith.constant 1.280000e+02 : f32
    %div3A_70 = vector.broadcast %div3A_69 : f32 to vector<1280x1xf32>
    %div3A_71 = arith.divf %broadcast_in_dim3A_68, %div3A_70 : vector<1280x1xf32>
    %sub3A_72 = vector.broadcast %div3A_60 : vector<1280x1xf32> to vector<1280x128xf32>
    %sub3A_73 = arith.subf %add3A_54, %sub3A_72 : vector<1280x128xf32>
    %add3A_74 = arith.constant 9.99999974E-6 : f32
    %add3A_75 = vector.broadcast %add3A_74 : f32 to vector<1280x1xf32>
    %add3A_76 = arith.addf %div3A_71, %add3A_75 : vector<1280x1xf32>
    %rsqrt3A = math.rsqrt %add3A_76 : vector<1280x1xf32>
    %mul3A_77 = vector.broadcast %rsqrt3A : vector<1280x1xf32> to vector<1280x128xf32>
    %mul3A_78 = arith.mulf %sub3A_73, %mul3A_77 : vector<1280x128xf32>
    %get3A_79 = arith.constant 0 : index
    %get3A_80 = arith.constant 0 : index
    %get3A_81 = vector.load %arg8[%get3A_79, %get3A_80] : memref<1x128xf32, #tpu.memory_space<vmem>>, vector<1x128xf32>
    %mul3A_82 = vector.broadcast %get3A_81 : vector<1x128xf32> to vector<1280x128xf32>
    %mul3A_83 = arith.mulf %mul3A_78, %mul3A_82 : vector<1280x128xf32>
    %get3A_84 = arith.constant 0 : index
    %get3A_85 = arith.constant 0 : index
    %get3A_86 = vector.load %arg9[%get3A_84, %get3A_85] : memref<1x128xf32, #tpu.memory_space<vmem>>, vector<1x128xf32>
    %add3A_87 = vector.broadcast %get3A_86 : vector<1x128xf32> to vector<1280x128xf32>
    %add3A_88 = arith.addf %mul3A_83, %add3A_87 : vector<1280x128xf32>
    %swap3A = arith.constant 0 : index
    %swap3A_89 = arith.constant 0 : index
    %swap3A_90 = vector.load %arg10[%swap3A, %swap3A_89] : memref<1280x128xf32, #tpu.memory_space<vmem>>, vector<1280x128xf32>
    tpu.vector_store %arg10[%swap3A, %swap3A_89], %add3A_88 {strides = array<i32>} : memref<1280x128xf32, #tpu.memory_space<vmem>>, vector<1280x128xf32>,
    return
  }
  func.func @transform_0(%arg0: i32) -> (i32, i32) {
    %c0_i32 = arith.constant 0 : i32
    %c0_i32_0 = arith.constant 0 : i32
    return %arg0, %c0_i32 : i32, i32
  }
  func.func @transform_1(%arg0: i32) -> (i32, i32, i32) {
    %c0_i32 = arith.constant 0 : i32
    %c0_i32_0 = arith.constant 0 : i32
    %c0_i32_1 = arith.constant 0 : i32
    return %c0_i32, %arg0, %c0_i32_0 : i32, i32, i32
  }
  func.func @transform_2(%arg0: i32) -> (i32, i32, i32) {
    %c0_i32 = arith.constant 0 : i32
    %c0_i32_0 = arith.constant 0 : i32
    %c0_i32_1 = arith.constant 0 : i32
    return %c0_i32, %arg0, %c0_i32_0 : i32, i32, i32
  }
  func.func @transform_3(%arg0: i32) -> (i32, i32) {
    %c0_i32 = arith.constant 0 : i32
    %c0_i32_0 = arith.constant 0 : i32
    %c0_i32_1 = arith.constant 0 : i32
    return %c0_i32, %c0_i32_0 : i32, i32
  }
  func.func @transform_4(%arg0: i32) -> (i32, i32) {
    %c0_i32 = arith.constant 0 : i32
    %c0_i32_0 = arith.constant 0 : i32
    %c0_i32_1 = arith.constant 0 : i32
    return %c0_i32, %c0_i32_0 : i32, i32
  }
  func.func @transform_5(%arg0: i32) -> (i32, i32) {
    %c0_i32 = arith.constant 0 : i32
    %c0_i32_0 = arith.constant 0 : i32
    %c0_i32_1 = arith.constant 0 : i32
    return %c0_i32, %c0_i32_0 : i32, i32
  }
  func.func @transform_6(%arg0: i32) -> (i32, i32) {
    %c0_i32 = arith.constant 0 : i32
    %c0_i32_0 = arith.constant 0 : i32
    %c0_i32_1 = arith.constant 0 : i32
    return %c0_i32, %c0_i32_0 : i32, i32
  }
  func.func @transform_7(%arg0: i32) -> (i32, i32) {
    %c0_i32 = arith.constant 0 : i32
    %c0_i32_0 = arith.constant 0 : i32
    %c0_i32_1 = arith.constant 0 : i32
    return %c0_i32, %c0_i32_0 : i32, i32
  }
  func.func @transform_8(%arg0: i32) -> (i32, i32) {
    %c0_i32 = arith.constant 0 : i32
    %c0_i32_0 = arith.constant 0 : i32
    %c0_i32_1 = arith.constant 0 : i32
    return %c0_i32, %c0_i32_0 : i32, i32
  }
  func.func @transform_9(%arg0: i32) -> (i32, i32) {
    %c0_i32 = arith.constant 0 : i32
    %c0_i32_0 = arith.constant 0 : i32
    return %arg0, %c0_i32 : i32, i32
  }
}

</mosaic_0001>

<sc_bundles>
// kernel: kernel.5.cloned.1.call-start
scs
__scs_entry_jumppad:
0x0: {  	(pc) =	sbr.rel $0x88, $3  }
0x1: {  	(tag) =	ssettag $0x0;
	lr =	simm.s32 $0x1  }
0x2: {  	[smem:$0x3F99] =	sst lr;
	_ =	strace $0xD0000000  }
0x3: {  	_ = 	snop  }
0x4: {  	_ = 	snop  }
0x5: {  	_ = 	snop  }
0x6: {  	_ = 	snop  }
0x7: {  	_ = 	snop  }
__scs_overlays_trampoline_lowered:
0x8: {  	[smem:$0x3FA8] =	sst s0  }
0x9: {  	[smem:$0x3FA9] =	sst s1  }
0xa: {  	[smem:$0x3FAA] =	sst s2  }
0xb: {  	[smem:$0x3FAB] =	sst s3  }
0xc: {  	[smem:$0x3FAC] =	sst s4  }
0xd: {  	[smem:$0x3FAD] =	sst s5  }
0xe: {  	[smem:$0x3FAE] =	sst s6  }
0xf: {  	[smem:$0x3FAF] =	sst s7  }
0x10: {  	[smem:$0x3FB0] =	sst s8  }
0x11: {  	[smem:$0x3FB1] =	sst s9;
	s0 =	simm.s32 @!p0 $0x0  }
0x12: {  	s1 =	sld [smem:$0x3F97];
	s0 =	simm.s32 @p0 $0x1  }
0x13: {  	[smem:$0x3FB2] =	sst s0;
	s0 =	simm.s32 @!p1 $0x0  }
0x14: {  	s2 =	sld [smem:$0x3F96];
	s0 =	simm.s32 @p1 $0x1  }
0x15: {  	[smem:$0x3FB3] =	sst s0;
	s0 =	simm.s32 @!p2 $0x0  }
0x16: {  	s3 =	sld [smem:$0x3FDB];
	s0 =	simm.s32 @p2 $0x1  }
0x17: {  	s4 =	simm.s32 $0x1BF5;
	[smem:$0x3FB5] =	sst s0  }
0x18: {  	s0 =	sld [smem:$0x3F98];
	_ =	swait.ge [sflag:s4], $0x0  }
0x19: {  	s7 =	sld [smem:$0x3F99]  }
0x1a: {  	s8 =	sadd.s32 $0xFFFFE003, lr  }
0x1b: {  	s9 =	sadd.s32 $0xFFFFFEF7, lr;
	s5 =	simm.s32 $0xFFFFFFFF;
	p2 =	slt.u32 s8, $0xFFFFF086  }
0x1c: {  	p1 =	slt.u32 s9, $0xF7A;
	s5 =	simm.s32 @!p2 $0x0  }
0x1d: {  	s5 =	simm.s32 @p1 $0x1;
	p0 =	seq.s32 s7, s2  }
0x1e: {  	s7 =	smul.u32 @!p0 $0xF7A, s2;
	p2 =	seq.s32 @!p0 s5, $0x0  }
0x1f: {  	s9 =	smul.u32 $0xF7A, s1;
	s8 =	simm.s32 @!p0 $0x1BF5;
	p2 =	por !p2, p0  }
0x20: {  	[sflag:s8] =	ssyncset.s32 @!p0 $0xFFFFF086;
	s6 =	sadd.s32 @!p0 s3, s7;
	s7 =	simm.s32 @!p0 $0x108  }
0x21: {  	s3 =	sadd.s32 s3, s9;
	s6 =	sadd.s32 @!p0 $0x88, s6;
	s7 =	simm.s32 @p2 $0x1082  }
0x22: {  	[simem:s7], [sflag:s8] =	dma.local @!p0 [hbm:s6], $0xF7A  }
0x23: {  	s9 =	sor.u32 $0xD0000000, s2;
	s6 =	simm.s32 $0x108;
	_ =	swait.ge @!p0 [sflag:s8], $0x0  }
0x24: {  	s3 =	sadd.s32 $0x88, s3;
	s6 =	simm.s32 @!p1 $0x1082;
	[sflag:s4] =	ssyncset.s32 $0xFFFFF086  }
0x25: {  	[simem:s6], [sflag:s4] =	dma.local [hbm:s3], $0xF7A  }
0x26: {  	[smem:$0x3F99] =	sst s1;
	(tag) =	ssettag s2;
	_ =	strace s9  }
0x27: {  	s1 =	sld [smem:$0x3FA9]  }
0x28: {  	s2 =	sld [smem:$0x3FAA]  }
0x29: {  	s4 =	sld [smem:$0x3FAC]  }
0x2a: {  	p0 =	seq.s32 s5, $0x0;
	s5 =	sld [smem:$0x3FAD]  }
0x2b: {  	s6 =	sld [smem:$0x3FAE]  }
0x2c: {  	s7 =	sld [smem:$0x3FAF]  }
0x2d: {  	s3 =	simm.s32 $0x108;
	s8 =	sld [smem:$0x3FB0]  }
0x2e: {  	s3 =	simm.s32 @!p0 $0x1082;
	s9 =	sld [smem:$0x3FB1]  }
0x2f: {  	lr =	sadd.s32 s0, s3;
	s0 =	sld [smem:$0x3FA8]  }
0x30: {  	s3 =	sld [smem:$0x3FAB]  }
0x31: {  	[smem:$0x3FB4] =	sst s10  }
0x32: {  	s10 =	sld [smem:$0x3FB2];
	_ =	sdelay $0x3  }
0x33: {  	p0 =	seq.s32 s10, $0x1;
	s10 =	sld [smem:$0x3FB4];
	_ =	sdelay $0x3  }
0x34: {  	[smem:$0x3FB4] =	sst s10  }
0x35: {  	s10 =	sld [smem:$0x3FB3];
	_ =	sdelay $0x3  }
0x36: {  	p1 =	seq.s32 s10, $0x1;
	s10 =	sld [smem:$0x3FB4];
	_ =	sdelay $0x3  }
0x37: {  	[smem:$0x3FB4] =	sst s10  }
0x38: {  	s10 =	sld [smem:$0x3FB5]  }
0x39: {  	_ = 	snop;
	(pc) =	sbr.ind lr, $3  }
0x3a: {  	_ = 	snop  }
0x3b: {  	_ = 	snop  }
0x3c: {  	p2 =	seq.s32 s10, $0x1;
	s10 =	sld [smem:$0x3FB4]  }
0x3d: {  	_ =	shalt  }
0x3e: {  	_ =	shalt  }
0x3f: {  	_ =	shalt  }
0x40: {  	_ =	shalt  }
0x41: {  	_ =	shalt  }
0x42: {  	_ =	shalt  }
0x43: {  	_ =	shalt  }
0x44: {  	_ =	shalt  }
0x45: {  	_ =	shalt  }
0x46: {  	_ =	shalt  }
0x47: {  	_ =	shalt  }
0x48: {  	_ =	shalt  }
0x49: {  	_ =	shalt  }
0x4a: {  	_ =	shalt  }
0x4b: {  	_ =	shalt  }
0x4c: {  	_ =	shalt  }
0x4d: {  	_ =	shalt  }
0x4e: {  	_ =	shalt  }
0x4f: {  	_ =	shalt  }
0x50: {  	_ =	shalt  }
0x51: {  	_ =	shalt  }
0x52: {  	_ =	shalt  }
0x53: {  	_ =	shalt  }
0x54: {  	_ =	shalt  }
0x55: {  	_ =	shalt  }
0x56: {  	_ =	shalt  }
0x57: {  	_ =	shalt  }
0x58: {  	_ =	shalt  }
0x59: {  	_ =	shalt  }
0x5a: {  	_ =	shalt  }
0x5b: {  	_ =	shalt  }
0x5c: {  	_ =	shalt  }
0x5d: {  	_ =	shalt  }
0x5e: {  	_ =	shalt  }
0x5f: {  	_ =	shalt  }
0x60: {  	_ =	shalt  }
0x61: {  	_ =	shalt  }
0x62: {  	_ =	shalt  }
0x63: {  	_ =	shalt  }
0x64: {  	_ =	shalt  }
0x65: {  	_ =	shalt  }
0x66: {  	_ =	shalt  }
0x67: {  	_ =	shalt  }
0x68: {  	_ =	shalt  }
0x69: {  	_ =	shalt  }
0x6a: {  	_ =	shalt  }
0x6b: {  	_ =	shalt  }
0x6c: {  	_ =	shalt  }
0x6d: {  	_ =	shalt  }
0x6e: {  	_ =	shalt  }
0x6f: {  	_ =	shalt  }
0x70: {  	_ =	shalt  }
0x71: {  	_ =	shalt  }
0x72: {  	_ =	shalt  }
0x73: {  	_ =	shalt  }
0x74: {  	_ =	shalt  }
0x75: {  	_ =	shalt  }
0x76: {  	_ =	shalt  }
0x77: {  	_ =	shalt  }
0x78: {  	_ =	shalt  }
0x79: {  	_ =	shalt  }
0x7a: {  	_ =	shalt  }
0x7b: {  	_ =	shalt  }
0x7c: {  	_ =	shalt  }
0x7d: {  	_ =	shalt  }
0x7e: {  	_ =	shalt  }
0x7f: {  	_ =	shalt  }
0x80: {  	_ =	shalt  }
0x81: {  	_ =	shalt  }
0x82: {  	_ =	shalt  }
0x83: {  	_ =	shalt  }
0x84: {  	_ =	shalt  }
0x85: {  	_ =	shalt  }
0x86: {  	_ =	shalt  }
0x87: {  	_ =	shalt  }
.Lfunc_end0:
.L_simem_size_0:
called_computation_lowered:
.L_overlay_start_0:
0x88: {  	s2 =	sld [smem:$0x3FD9]  }
0x89: {  	s3 =	sld [smem:$0x3FFE];
	_ =	sdelay $0x1  }
0x8a: {  	s1 =	srdreg.scid  }
0x8b: {  	s0 =	sand.u32 $0x1, s1  }
0x8c: {  	s17 =	sshll.u32 s0, $0xA;
	s2 =	sadd.s32 s3, s2  }
0x8d: {  	s2 =	sadd.s32 s2, s17  }
0x8e: {  	[smem:$0x3FC0] =	sst s2  }
0x8f: {  	_ = 	snop  }
0x90: {  	s2 =	sld [smem:$0x3FC9]  }
0x91: {  	s18 =	sld [smem:$0x3FD0];
	(tm) =	ssettm $0x1  }
0x92: {  	s4 =	sld [smem:$0x3FFB];
	_ =	sdelay $0x3  }
0x93: {  	_ =	strace s4  }
0x94: {  	s4 =	sld [smem:$0x3FFC];
	_ =	sdelay $0x3  }
0x95: {  	_ =	strace s4  }
0x96: {  	s4 =	sld [smem:$0x3FFD];
	_ =	sdelay $0x3  }
0x97: {  	_ =	strace s4  }
0x98: {  	_ =	strace $0x8FFFFFFF  }
0x99: {  	s19 =	sld [smem:$0x3FDB];
	_ =	sdelay $0x1  }
0x9a: {  	s5 =	simm.s32 $_scs_section_size  }
0x9b: {  	s6 =	simm.s32 $_size__tile_overlayer_lowered;
	s7 =	simm.s32 $_tile_overlayer_lowered  }
0x9c: {  	s22 =	simm.s32 $0x1BFF;
	s21 =	sshll.u32 s7, $0x1;
	s4 =	sadd.s32 s5, s19  }
0x9d: {  	s8 =	simm.s32 $0x0;
	s20 =	sshll.u32 s6, $0x1;
	s6 =	sadd.s32 s21, s4  }
0x9e: {  	[timem:s8], [sflag:s22] =	dma.local [hbm:s6], s20  }
0x9f: {  	_ =	swait.ge [sflag:s22], s20  }
0xa0: {  	s5 =	ssub.s32 $0x0, s20;
	[sflag:s22] =	ssyncset.done $0x0  }
0xa1: {  	[sflag:s22] =	ssyncadd.s32 s5;
	_ =	sdelay $0x1  }
0xa2: {  	s23 =	simm.s32 $0x1B8B  }
0xa3: {  	_ =	swait.ge [sflag:s23], $0x1  }
0xa4: {  	[sflag:s23] =	ssyncset.done $0x0  }
0xa5: {  	s25 =	simm.s32 $0x1B8E;
	s24 =	sld [smem:$0x3FFE];
	[sflag:s23] =	ssyncadd.s32 $0xFFFFFFFF  }
0xa6: {  	s26 =	simm.s32 $execute0_lowered;
	[smem:$0x3FD2] =	sst s25  }
0xa7: {  	s6 =	sshll.u32 s26, $0x1;
	_ =	strace $0x80000046;
	[dreg:$0x1] =	wrdreg $0xFFFFFFFF  }
0xa8: {  	s28 =	simm.s32 $_size_execute0_lowered;
	s4 =	sadd.s32 s4, s6;
	[dreg:$0x0] =	wrdreg $0x0  }
0xa9: {  	s6 =	sshll.u32 s28, $0x1;
	[dreg:$0x2] =	wrdreg s4  }
0xaa: {  	[dreg:$0x3] =	wrdreg s6  }
0xab: {  	[dreg:$0x4] =	wrdreg $0xC0  }
0xac: {  	_ =	task [dreg:s8], $0x5FFFF  }
0xad: {  	[dreg:$0x1] =	wrdreg $0xFFFFFFFF  }
0xae: {  	[dreg:$0x0] =	wrdreg $0x60  }
0xaf: {  	[dreg:$0x2] =	wrdreg s2  }
0xb0: {  	[dreg:$0x3] =	wrdreg s24  }
0xb1: {  	[dreg:$0x4] =	wrdreg s18  }
0xb2: {  	[dreg:$0x5] =	wrdreg $0x0  }
0xb3: {  	[dreg:$0x6] =	wrdreg $0x9  }
0xb4: {  	_ =	task.clear_ibuf [dreg:s8], $0x7FFFF;
	_ =	strace $0x90000046  }
0xb5: {  	s29 =	simm.s32 $0x9;
	_ =	strace $0x80000048  }
0xb6: {  	_ =	swait.ge [sflag:s29], $0x1  }
0xb7: {  	[sflag:s29] =	ssyncadd.s32 $0xFFFFFFFF  }
0xb8: {  	_ =	strace $0x90000048  }
0xb9: {  	_ =	sfence  }
0xba: {  	s30 =	sld [smem:$0x0];
	_ =	sdelay $0x2  }
0xbb: {  	s31 =	sshll.u32 s1, $0xD;
	s1 =	sshrl.u32 s1, $0x2  }
0xbc: {  	s3 =	sand.u32 $0x4000, s31;
	s1 =	sadd.s32 s1, s30  }
0xbd: {  	s0 =	sor.u32 s3, s0;
	s1 =	sshll.u32 s1, $0x11  }
0xbe: {  	s0 =	sor.u32 s1, s0  }
0xbf: {  	s0 =	sadd.s32 $0x8F2B, s0  }
0xc0: {  	[sflag:s0] =	ssyncadd.remote.s32 $0x1  }
0xc1: {  	_ =	sfence.sel $0xFFFF  }
0xc2: {  	[dreg:$0x0] =	wrdreg $0xFFFFFFFF;
	(pc) =	sbr.abs _section_cstart, $3  }
0xc3: {  	[dreg:$0x1] =	wrdreg $0xFFFFFFFF  }
0xc4: {  	_ =	task.clear_ibuf [dreg:s8], $0x2FFFF;
	_ =	strace $0x9FFFFFFF  }
0xc5: {  	(tm) =	ssettm $0x7FFFFFFF  }
tec
execute0_lowered:
.L_overlay_start_1:
0x0: {  	(tag) =	ssettag $0x1  }
0x1: {  	s0 =	rddreg [dreg:$0x0]  }
0x2: {  	s6 =	rddreg [dreg:$0x1]  }
0x3: {  	s9 =	rddreg [dreg:$0x2]  }
0x4: {  	s1 =	srdreg.scid;
	s3 =	rddreg [dreg:$0x3]  }
0x5: {  	s2 =	rddreg [dreg:$0x4];
	s7 =	sand.u32 $0x1, s1  }
0x6: {  	s4 =	simm.s32 $0x0;
	s1 =	stileid.u32;
	s5 =	smul.u32 $0x27100, s7  }
0x7: {  	s15 =	simm.s32 $0x14080;
	s16 =	simm.s32 $0x50;
	s8 =	smul.u32 $0x2710, s1  }
0x8: {  	s17 =	simm.s32 $0x14100;
	s18 =	simm.s32 $0x1;
	s26 =	smul.u32 $0x2800, s1  }
0x9: {  	s19 =	simm.s32 $0x0;
	[smem:$0x7FF] =	sst s4;
	s11 =	smul.u32 $0x28000, s7  }
0xa: {  	_ =	strace $0x80000047;
	s13 =	smul.u32 $0x50000, s1;
	s7 =	ssub.s32 $0x2, s7  }
0xb: {  	s31 =	sshll.u32 s1, $0x6;
	s28 =	sshrl.u32 s7, $0x1;
	s5 =	sadd.s32 s8, s5  }
0xc: {  	s8 =	sadd.s32 s26, s11;
	s29 =	sshrl.u32 s13, $0x2;
	s30 =	ssub.s32 s7, s28  }
0xd: {  	s10 =	sshrl.u32 s5, $0x3;
	s5 =	sadd.s32 $0xB400, s6;
	s8 =	sadd.s32 s8, s6  }
0xe: {  	s11 =	sadd.s32 s29, s3;
	s12 =	sadd.s32 s10, s6;
	s6 =	sor.u32 $0x1C02, s31  }
0xf: {  	s14 =	sadd.s32 $0xA000, s11;
	s7 =	sadd.s32 $0xC800, s8;
	s8 =	smax.u32 s30, $0x1  }
0x10: {  	s9 =	sadd.s32 s10, s9;
	s11 =	sshrl.u32 s11, $0x3;
	s10 =	sadd.s32 $0x1600, s12  }
0x11: {  	s12 =	simm.s32 $0x2;
	s13 =	sshrl.u32 s14, $0x3;
	s14 =	simm.s32 $0x14000  }
.LBB2_1:
0x12: {  	[spmem:s11], [sflag:s6] =	dma.local [hbm:s5], $0x1400  }
0x13: {  	_ =	swait.ge [sflag:s12], $0x1400  }
0x14: {  	[sflag:s12] =	ssyncset.done $0x0  }
0x15: {  	[sflag:s12] =	ssyncadd.s32 $0xFFFFEC00  }
0x16: {  	[spmem:s13], [sflag:s6] =	dma.local [hbm:s5], $0x1400  }
0x17: {  	_ =	swait.ge [sflag:s12], $0x1400  }
0x18: {  	[sflag:s12] =	ssyncset.done $0x0  }
0x19: {  	[sflag:s12] =	ssyncadd.s32 $0xFFFFEC00  }
0x1a: {  	s20 =	sadd.s32 $0x0, s10;
	[bflag:$0x0] =	sbarrier.arrive $0xFFFF  }
0x1b: {  	[tilespmem:s14], [sflag:$0x2] =	stream.linear.gather [hbm4b:s20+s4], $0x50, $0x38;
	[tilespmem:$0x16900] =	vst v63  }
0x1c: {  	_ =	swait.ge [sflag:s12], $0x50  }
0x1d: {  	[sflag:s12] =	ssyncset.done $0x0  }
0x1e: {  	s31 =	sadd.s32 $0x0, s9;
	[sflag:s12] =	ssyncadd.s32 $0xFFFFFFB0  }
0x1f: {  	[tilespmem:s15], [sflag:$0x2] =	stream.linear.gather [hbm4b:s31+s4], $0x50, $0x38;
	[tilespmem:$0x16900] =	vst v63  }
0x20: {  	_ =	swait.ge [sflag:s12], $0x50  }
0x21: {  	[sflag:s12] =	ssyncset.done $0x0  }
0x22: {  	[sflag:s12] =	ssyncadd.s32 $0xFFFFFFB0  }
0x23: {  	[tilespmem:s17], [sflag:$0x1] =	stream.indirect.gather [hbm4b:s0+s16], $0x80, s14, s16, $0xb8;
	[tilespmem:$0x16900] =	vst v63  }
0x24: {  	_ =	swait.ge [sflag:s18], $0x2800  }
0x25: {  	[sflag:s18] =	ssyncset.done $0x0  }
0x26: {  	[sflag:s18] =	ssyncadd.s32 $0xFFFFD800  }
0x27: {  	[spmem:s3] =	stream.indirect.scatter.add.f32 [tilespmem:s17], [sflag:$0x2], $0x80, s15, s16, $0xb8;
	[tilespmem:$0x16900] =	vst v63  }
0x28: {  	_ =	swait.ge [sflag:s12], $0x2800  }
0x29: {  	s21 =	simm.s32 $0x14;
	s20 =	simm.s32 $0xA;
	[sflag:s12] =	ssyncset.done $0x0  }
.LBB2_2:
0x2a: {  	s22 =	sadd.s32 s20, s10  }
0x2b: {  	[sflag:s12] =	ssyncadd.s32 $0xFFFFD800;
	s23 =	smov.u32 s21;
	s24 =	sadd.s32 $0xA, s21  }
0x2c: {  	[tilespmem:s14], [sflag:$0x2] =	stream.linear.gather [hbm4b:s22+s4], $0x50, $0x38;
	[tilespmem:$0x16900] =	vst v63  }
0x2d: {  	p0 =	sne.s32 s21, $0x4D8;
	_ =	swait.ge [sflag:s12], $0x50  }
0x2e: {  	[sflag:s12] =	ssyncset.done $0x0  }
0x2f: {  	s21 =	sadd.s32 s20, s9;
	s20 =	smov.u32 s23;
	[sflag:s12] =	ssyncadd.s32 $0xFFFFFFB0  }
0x30: {  	[tilespmem:s15], [sflag:$0x2] =	stream.linear.gather [hbm4b:s21+s4], $0x50, $0x38;
	[tilespmem:$0x16900] =	vst v63  }
0x31: {  	_ =	swait.ge [sflag:s12], $0x50  }
0x32: {  	[sflag:s12] =	ssyncset.done $0x0  }
0x33: {  	[sflag:s12] =	ssyncadd.s32 $0xFFFFFFB0  }
0x34: {  	[tilespmem:s17], [sflag:$0x1] =	stream.indirect.gather [hbm4b:s0+s16], $0x80, s14, s16, $0xb8;
	[tilespmem:$0x16900] =	vst v63  }
0x35: {  	_ =	swait.ge [sflag:s18], $0x2800  }
.Ltmp0:
0x36: {  	[sflag:s18] =	ssyncset.done $0x0;
	(pc) =	sbr.rel @p0 .LBB2_2-.Ltmp0, $4  }
0x37: {  	[sflag:s18] =	ssyncadd.s32 $0xFFFFD800  }
0x38: {  	[spmem:s3] =	stream.indirect.scatter.add.f32 [tilespmem:s17], [sflag:$0x2], $0x80, s15, s16, $0xb8;
	[tilespmem:$0x16900] =	vst v63  }
0x39: {  	_ =	swait.ge [sflag:s12], $0x2800  }
0x3a: {  	s21 =	smov.u32 s24;
	[sflag:s12] =	ssyncset.done $0x0  }
0x3b: {  	s21 =	sadd.s32 s20, s10;
	[sflag:s12] =	ssyncadd.s32 $0xFFFFD800  }
0x3c: {  	[tilespmem:s14], [sflag:$0x2] =	stream.linear.gather [hbm4b:s21+s4], $0x50, $0x38;
	[tilespmem:$0x16900] =	vst v63  }
0x3d: {  	_ =	swait.ge [sflag:s12], $0x50  }
0x3e: {  	[sflag:s12] =	ssyncset.done $0x0  }
0x3f: {  	s31 =	sadd.s32 s20, s9;
	[sflag:s12] =	ssyncadd.s32 $0xFFFFFFB0  }
0x40: {  	[tilespmem:s15], [sflag:$0x2] =	stream.linear.gather [hbm4b:s31+s4], $0x50, $0x38;
	[tilespmem:$0x16900] =	vst v63  }
0x41: {  	_ =	swait.ge [sflag:s12], $0x50  }
0x42: {  	[sflag:s12] =	ssyncset.done $0x0  }
0x43: {  	[sflag:s12] =	ssyncadd.s32 $0xFFFFFFB0  }
0x44: {  	[tilespmem:s17], [sflag:$0x1] =	stream.indirect.gather [hbm4b:s0+s16], $0x80, s14, s16, $0xb8;
	[tilespmem:$0x16900] =	vst v63  }
0x45: {  	_ =	swait.ge [sflag:s18], $0x2800  }
0x46: {  	[sflag:s18] =	ssyncset.done $0x0  }
0x47: {  	[sflag:s18] =	ssyncadd.s32 $0xFFFFD800  }
0x48: {  	[spmem:s3] =	stream.indirect.scatter.add.f32 [tilespmem:s17], [sflag:$0x2], $0x80, s15, s16, $0xb8;
	[tilespmem:$0x16900] =	vst v63  }
0x49: {  	_ =	swait.ge [sflag:s12], $0x2800  }
0x4a: {  	s19 =	sadd.s32 $0x1, s19;
	[sflag:s12] =	ssyncset.done $0x0  }
0x4b: {  	p0 =	sne.s32 s19, s8;
	[sflag:s12] =	ssyncadd.s32 $0xFFFFD800  }
.Ltmp1:
0x4c: {  	[bflag:$0x0] =	sbarrier.arrive $0xFFFF;
	(pc) =	sbr.rel @p0 .LBB2_1-.Ltmp1, $4  }
0x4d: {  	[hbm:s7], [sflag:s6] =	dma.local [spmem:s11], $0x2800  }
0x4e: {  	_ =	swait.ge [sflag:s12], $0x2800  }
0x4f: {  	[sflag:s12] =	ssyncset.done $0x0  }
0x50: {  	[sflag:s12] =	ssyncadd.s32 $0xFFFFD800  }
0x51: {  	_ =	sfence.sel $0x180000  }
0x52: {  	[bflag:$0x0] =	sbarrier.arrive $0xFFFF  }
0x53: {  	p0 =	sne.s32 s1, $0x0;
	_ =	strace $0x90000047  }
0x54: {  	s0 =	sadd.s32 @!p0 $0x100000, s2;
	[bflag:$0x2] =	sbarrier.arrive $0xFFFF  }
0x55: {  	[sflag:s0] =	ssyncadd.tile.s32 @!p0 $0x1;
	_ =	shalt  }
.Lfunc_end2:
_tile_overlayer_lowered:
.L_overlay_start_2:
0x56: {  	(tag) =	ssettag $0x2  }
0x57: {  	s0 =	rddreg [dreg:$0x0];
	s2 =	stileid.u32  }
0x58: {  	s1 =	rddreg [dreg:$0x1];
	p0 =	sne.s32 s2, $0x0  }
0x59: {  	s3 =	rddreg [dreg:$0x2];
	[bflag:$0x3] =	sbarrier.arrive $0xFFFF;
	s2 =	simm.s32 @!p0 $0x1C02  }
0x5a: {  	[timem:s3], [sflag:s2] =	dma.local @!p0 [hbm:s0], s1  }
0x5b: {  	s0 =	simm.s32 @!p0 $0x2  }
0x5c: {  	_ =	swait.ge @!p0 [sflag:s0], s1  }
0x5d: {  	s1 =	ssub.s32 @!p0 $0x0, s1;
	[sflag:s0] =	ssyncset.done @!p0 $0x0  }
0x5e: {  	[sflag:s0] =	ssyncadd.s32 @!p0 s1  }
0x5f: {  	[bflag:$0x3] =	sbarrier.arrive $0xFFFF  }
0x60: {  	_ =	shalt  }

// kernel: kernel.8.cloned.1.call-start
scs
__scs_entry_jumppad:
0x0: {  	(pc) =	sbr.rel $0x88, $3  }
0x1: {  	(tag) =	ssettag $0x0;
	lr =	simm.s32 $0x1  }
0x2: {  	[smem:$0x3F99] =	sst lr;
	_ =	strace $0xD0000000  }
0x3: {  	_ = 	snop  }
0x4: {  	_ = 	snop  }
0x5: {  	_ = 	snop  }
0x6: {  	_ = 	snop  }
0x7: {  	_ = 	snop  }
__scs_overlays_trampoline_lowered:
0x8: {  	[smem:$0x3FA8] =	sst s0  }
0x9: {  	[smem:$0x3FA9] =	sst s1  }
0xa: {  	[smem:$0x3FAA] =	sst s2  }
0xb: {  	[smem:$0x3FAB] =	sst s3  }
0xc: {  	[smem:$0x3FAC] =	sst s4  }
0xd: {  	[smem:$0x3FAD] =	sst s5  }
0xe: {  	[smem:$0x3FAE] =	sst s6  }
0xf: {  	[smem:$0x3FAF] =	sst s7  }
0x10: {  	[smem:$0x3FB0] =	sst s8  }
0x11: {  	[smem:$0x3FB1] =	sst s9;
	s0 =	simm.s32 @!p0 $0x0  }
0x12: {  	s1 =	sld [smem:$0x3F97];
	s0 =	simm.s32 @p0 $0x1  }
0x13: {  	[smem:$0x3FB2] =	sst s0;
	s0 =	simm.s32 @!p1 $0x0  }
0x14: {  	s2 =	sld [smem:$0x3F96];
	s0 =	simm.s32 @p1 $0x1  }
0x15: {  	[smem:$0x3FB3] =	sst s0;
	s0 =	simm.s32 @!p2 $0x0  }
0x16: {  	s3 =	sld [smem:$0x3FDB];
	s0 =	simm.s32 @p2 $0x1  }
0x17: {  	s4 =	simm.s32 $0x1BF5;
	[smem:$0x3FB5] =	sst s0  }
0x18: {  	s0 =	sld [smem:$0x3F98];
	_ =	swait.ge [sflag:s4], $0x0  }
0x19: {  	s7 =	sld [smem:$0x3F99]  }
0x1a: {  	s8 =	sadd.s32 $0xFFFFE003, lr  }
0x1b: {  	s9 =	sadd.s32 $0xFFFFFEF7, lr;
	s5 =	simm.s32 $0xFFFFFFFF;
	p2 =	slt.u32 s8, $0xFFFFF086  }
0x1c: {  	p1 =	slt.u32 s9, $0xF7A;
	s5 =	simm.s32 @!p2 $0x0  }
0x1d: {  	s5 =	simm.s32 @p1 $0x1;
	p0 =	seq.s32 s7, s2  }
0x1e: {  	s7 =	smul.u32 @!p0 $0xF7A, s2;
	p2 =	seq.s32 @!p0 s5, $0x0  }
0x1f: {  	s9 =	smul.u32 $0xF7A, s1;
	s8 =	simm.s32 @!p0 $0x1BF5;
	p2 =	por !p2, p0  }
0x20: {  	[sflag:s8] =	ssyncset.s32 @!p0 $0xFFFFF086;
	s6 =	sadd.s32 @!p0 s3, s7;
	s7 =	simm.s32 @!p0 $0x108  }
0x21: {  	s3 =	sadd.s32 s3, s9;
	s6 =	sadd.s32 @!p0 $0x88, s6;
	s7 =	simm.s32 @p2 $0x1082  }
0x22: {  	[simem:s7], [sflag:s8] =	dma.local @!p0 [hbm:s6], $0xF7A  }
0x23: {  	s9 =	sor.u32 $0xD0000000, s2;
	s6 =	simm.s32 $0x108;
	_ =	swait.ge @!p0 [sflag:s8], $0x0  }
0x24: {  	s3 =	sadd.s32 $0x88, s3;
	s6 =	simm.s32 @!p1 $0x1082;
	[sflag:s4] =	ssyncset.s32 $0xFFFFF086  }
0x25: {  	[simem:s6], [sflag:s4] =	dma.local [hbm:s3], $0xF7A  }
0x26: {  	[smem:$0x3F99] =	sst s1;
	(tag) =	ssettag s2;
	_ =	strace s9  }
0x27: {  	s1 =	sld [smem:$0x3FA9]  }
0x28: {  	s2 =	sld [smem:$0x3FAA]  }
0x29: {  	s4 =	sld [smem:$0x3FAC]  }
0x2a: {  	p0 =	seq.s32 s5, $0x0;
	s5 =	sld [smem:$0x3FAD]  }
0x2b: {  	s6 =	sld [smem:$0x3FAE]  }
0x2c: {  	s7 =	sld [smem:$0x3FAF]  }
0x2d: {  	s3 =	simm.s32 $0x108;
	s8 =	sld [smem:$0x3FB0]  }
0x2e: {  	s3 =	simm.s32 @!p0 $0x1082;
	s9 =	sld [smem:$0x3FB1]  }
0x2f: {  	lr =	sadd.s32 s0, s3;
	s0 =	sld [smem:$0x3FA8]  }
0x30: {  	s3 =	sld [smem:$0x3FAB]  }
0x31: {  	[smem:$0x3FB4] =	sst s10  }
0x32: {  	s10 =	sld [smem:$0x3FB2];
	_ =	sdelay $0x3  }
0x33: {  	p0 =	seq.s32 s10, $0x1;
	s10 =	sld [smem:$0x3FB4];
	_ =	sdelay $0x3  }
0x34: {  	[smem:$0x3FB4] =	sst s10  }
0x35: {  	s10 =	sld [smem:$0x3FB3];
	_ =	sdelay $0x3  }
0x36: {  	p1 =	seq.s32 s10, $0x1;
	s10 =	sld [smem:$0x3FB4];
	_ =	sdelay $0x3  }
0x37: {  	[smem:$0x3FB4] =	sst s10  }
0x38: {  	s10 =	sld [smem:$0x3FB5]  }
0x39: {  	_ = 	snop;
	(pc) =	sbr.ind lr, $3  }
0x3a: {  	_ = 	snop  }
0x3b: {  	_ = 	snop  }
0x3c: {  	p2 =	seq.s32 s10, $0x1;
	s10 =	sld [smem:$0x3FB4]  }
0x3d: {  	_ =	shalt  }
0x3e: {  	_ =	shalt  }
0x3f: {  	_ =	shalt  }
0x40: {  	_ =	shalt  }
0x41: {  	_ =	shalt  }
0x42: {  	_ =	shalt  }
0x43: {  	_ =	shalt  }
0x44: {  	_ =	shalt  }
0x45: {  	_ =	shalt  }
0x46: {  	_ =	shalt  }
0x47: {  	_ =	shalt  }
0x48: {  	_ =	shalt  }
0x49: {  	_ =	shalt  }
0x4a: {  	_ =	shalt  }
0x4b: {  	_ =	shalt  }
0x4c: {  	_ =	shalt  }
0x4d: {  	_ =	shalt  }
0x4e: {  	_ =	shalt  }
0x4f: {  	_ =	shalt  }
0x50: {  	_ =	shalt  }
0x51: {  	_ =	shalt  }
0x52: {  	_ =	shalt  }
0x53: {  	_ =	shalt  }
0x54: {  	_ =	shalt  }
0x55: {  	_ =	shalt  }
0x56: {  	_ =	shalt  }
0x57: {  	_ =	shalt  }
0x58: {  	_ =	shalt  }
0x59: {  	_ =	shalt  }
0x5a: {  	_ =	shalt  }
0x5b: {  	_ =	shalt  }
0x5c: {  	_ =	shalt  }
0x5d: {  	_ =	shalt  }
0x5e: {  	_ =	shalt  }
0x5f: {  	_ =	shalt  }
0x60: {  	_ =	shalt  }
0x61: {  	_ =	shalt  }
0x62: {  	_ =	shalt  }
0x63: {  	_ =	shalt  }
0x64: {  	_ =	shalt  }
0x65: {  	_ =	shalt  }
0x66: {  	_ =	shalt  }
0x67: {  	_ =	shalt  }
0x68: {  	_ =	shalt  }
0x69: {  	_ =	shalt  }
0x6a: {  	_ =	shalt  }
0x6b: {  	_ =	shalt  }
0x6c: {  	_ =	shalt  }
0x6d: {  	_ =	shalt  }
0x6e: {  	_ =	shalt  }
0x6f: {  	_ =	shalt  }
0x70: {  	_ =	shalt  }
0x71: {  	_ =	shalt  }
0x72: {  	_ =	shalt  }
0x73: {  	_ =	shalt  }
0x74: {  	_ =	shalt  }
0x75: {  	_ =	shalt  }
0x76: {  	_ =	shalt  }
0x77: {  	_ =	shalt  }
0x78: {  	_ =	shalt  }
0x79: {  	_ =	shalt  }
0x7a: {  	_ =	shalt  }
0x7b: {  	_ =	shalt  }
0x7c: {  	_ =	shalt  }
0x7d: {  	_ =	shalt  }
0x7e: {  	_ =	shalt  }
0x7f: {  	_ =	shalt  }
0x80: {  	_ =	shalt  }
0x81: {  	_ =	shalt  }
0x82: {  	_ =	shalt  }
0x83: {  	_ =	shalt  }
0x84: {  	_ =	shalt  }
0x85: {  	_ =	shalt  }
0x86: {  	_ =	shalt  }
0x87: {  	_ =	shalt  }
.Lfunc_end0:
.L_simem_size_0:
called_computation.1_lowered:
.L_overlay_start_0:
0x88: {  	s2 =	sld [smem:$0x3FD9]  }
0x89: {  	s3 =	sld [smem:$0x3FFE];
	_ =	sdelay $0x1  }
0x8a: {  	s1 =	srdreg.scid  }
0x8b: {  	s0 =	sand.u32 $0x1, s1  }
0x8c: {  	s17 =	sshll.u32 s0, $0xA;
	s2 =	sadd.s32 s3, s2  }
0x8d: {  	s2 =	sadd.s32 s2, s17  }
0x8e: {  	[smem:$0x3FC0] =	sst s2  }
0x8f: {  	_ = 	snop  }
0x90: {  	s18 =	sld [smem:$0x3FD0];
	(tm) =	ssettm $0x1  }
0x91: {  	s19 =	sld [smem:$0x3FFB];
	_ =	sdelay $0x3  }
0x92: {  	_ =	strace s19  }
0x93: {  	s2 =	sld [smem:$0x3FFC];
	_ =	sdelay $0x3  }
0x94: {  	_ =	strace s2  }
0x95: {  	s2 =	sld [smem:$0x3FFD];
	_ =	sdelay $0x3  }
0x96: {  	_ =	strace s2  }
0x97: {  	_ =	strace $0x8FFFFFFF  }
0x98: {  	s20 =	sld [smem:$0x3FDB];
	_ =	sdelay $0x1  }
0x99: {  	s4 =	simm.s32 $_scs_section_size  }
0x9a: {  	s5 =	simm.s32 $_size__tile_overlayer_lowered;
	s6 =	simm.s32 $_tile_overlayer_lowered  }
0x9b: {  	s7 =	simm.s32 $0x1BFF;
	s21 =	sshll.u32 s6, $0x1;
	s4 =	sadd.s32 s4, s20  }
0x9c: {  	s22 =	simm.s32 $0x0;
	s5 =	sshll.u32 s5, $0x1;
	s6 =	sadd.s32 s21, s4  }
0x9d: {  	[timem:s22], [sflag:s7] =	dma.local [hbm:s6], s5  }
0x9e: {  	_ =	swait.ge [sflag:s7], s5  }
0x9f: {  	s5 =	ssub.s32 $0x0, s5;
	[sflag:s7] =	ssyncset.done $0x0  }
0xa0: {  	[sflag:s7] =	ssyncadd.s32 s5;
	_ =	sdelay $0x1  }
0xa1: {  	s23 =	simm.s32 $0x1B8B  }
0xa2: {  	_ =	swait.ge [sflag:s23], $0x1  }
0xa3: {  	[sflag:s23] =	ssyncset.done $0x0  }
0xa4: {  	[sflag:s23] =	ssyncadd.s32 $0xFFFFFFFF  }
0xa5: {  	s5 =	sld [smem:$0x0]  }
0xa6: {  	s6 =	sand.u32 $0xFFFFFFFE, s1  }
0xa7: {  	p0 =	sne.s32 s1, s6  }
0xa8: {  	s6 =	sshll.u32 @p0 s6, $0xE  }
0xa9: {  	s6 =	sadd.s32 @p0 $0x11B8D, s6;
	s7 =	sshll.u32 @p0 s5, $0x11  }
0xaa: {  	s6 =	sor.u32 @p0 s7, s6  }
0xab: {  	[sflag:s6] =	ssyncadd.remote.s32 @p0 $0x1;
	_ =	sdelay $0x1  }
0xac: {  	s6 =	simm.s32 @p0 $0x1B8D  }
0xad: {  	_ =	swait.eq @p0 [sflag:s6], $0x1  }
0xae: {  	[sflag:s6] =	ssyncadd.s32 @p0 $0xFFFFFFFF  }
0xaf: {  	s7 =	sshll.u32 @!p0 s1, $0xE  }
0xb0: {  	s7 =	sor.u32 @!p0 $0x4000, s7;
	s6 =	simm.s32 @!p0 $0x1B8D  }
0xb1: {  	s5 =	sshll.u32 @!p0 s5, $0x11;
	s7 =	sadd.s32 @!p0 $0x11B8D, s7;
	_ =	swait.eq @!p0 [sflag:s6], $0x1  }
0xb2: {  	s5 =	sor.u32 @!p0 s5, s7;
	[sflag:s6] =	ssyncadd.s32 @!p0 $0xFFFFFFFF  }
0xb3: {  	s25 =	simm.s32 $0x1B8E;
	s24 =	sld [smem:$0x3FFE];
	[sflag:s5] =	ssyncadd.remote.s32 @!p0 $0x1  }
0xb4: {  	s26 =	simm.s32 $execute0_lowered;
	[smem:$0x3FD2] =	sst s25  }
0xb5: {  	s6 =	sshll.u32 s26, $0x1;
	_ =	strace $0x80000049;
	[dreg:$0x1] =	wrdreg $0xFFFFFFFF  }
0xb6: {  	s28 =	simm.s32 $_size_execute0_lowered;
	s4 =	sadd.s32 s4, s6;
	[dreg:$0x0] =	wrdreg $0x0  }
0xb7: {  	s6 =	sshll.u32 s28, $0x1;
	[dreg:$0x2] =	wrdreg s4  }
0xb8: {  	[dreg:$0x3] =	wrdreg s6  }
0xb9: {  	[dreg:$0x4] =	wrdreg $0xC0  }
0xba: {  	_ =	task [dreg:s22], $0x5FFFF  }
0xbb: {  	[dreg:$0x1] =	wrdreg $0xFFFFFFFF  }
0xbc: {  	[dreg:$0x0] =	wrdreg $0x60  }
0xbd: {  	[dreg:$0x2] =	wrdreg s18  }
0xbe: {  	[dreg:$0x3] =	wrdreg s24  }
0xbf: {  	[dreg:$0x4] =	wrdreg $0x0  }
0xc0: {  	[dreg:$0x5] =	wrdreg $0xA  }
0xc1: {  	_ =	task.clear_ibuf [dreg:s22], $0x6FFFF;
	_ =	strace $0x90000049  }
0xc2: {  	s29 =	simm.s32 $0xA;
	_ =	strace $0x8000004B  }
0xc3: {  	_ =	swait.ge [sflag:s29], $0x1  }
0xc4: {  	[sflag:s29] =	ssyncadd.s32 $0xFFFFFFFF  }
0xc5: {  	_ =	strace $0x9000004B  }
0xc6: {  	_ =	sfence  }
0xc7: {  	s30 =	sld [smem:$0x0];
	_ =	sdelay $0x2  }
0xc8: {  	s31 =	sshll.u32 s1, $0xD;
	s1 =	sshrl.u32 s1, $0x2  }
0xc9: {  	s4 =	sand.u32 $0x4000, s31;
	s1 =	sadd.s32 s1, s30  }
0xca: {  	s0 =	sor.u32 s4, s0;
	s1 =	sshll.u32 s1, $0x11  }
0xcb: {  	s0 =	sor.u32 s1, s0  }
0xcc: {  	s0 =	sadd.s32 $0x8F2B, s0  }
0xcd: {  	[sflag:s0] =	ssyncadd.remote.s32 $0x1  }
0xce: {  	_ =	sfence.sel $0xFFFF  }
0xcf: {  	[dreg:$0x0] =	wrdreg $0xFFFFFFFF;
	(pc) =	sbr.abs _section_cstart, $3  }
0xd0: {  	[dreg:$0x1] =	wrdreg $0xFFFFFFFF  }
0xd1: {  	_ =	task.clear_ibuf [dreg:s22], $0x2FFFF;
	_ =	strace $0x9FFFFFFF  }
0xd2: {  	(tm) =	ssettm $0x7FFFFFFF  }
0xd3: {  	_ =	shalt  }
tec
execute0_lowered:
.L_overlay_start_1:
0x0: {  	(tag) =	ssettag $0x1  }
0x1: {  	s8 =	rddreg [dreg:$0x0]  }
0x2: {  	s6 =	rddreg [dreg:$0x1]  }
0x3: {  	s2 =	rddreg [dreg:$0x2]  }
0x4: {  	s0 =	rddreg [dreg:$0x3];
	s1 =	stileid.u32  }
0x5: {  	s4 =	srdreg.scid;
	s9 =	smul.u32 $0x2800, s1  }
0x6: {  	s3 =	simm.s32 $0x0;
	s14 =	simm.s32 $0x50;
	s11 =	smul.u32 $0x50000, s1  }
0x7: {  	s15 =	simm.s32 $0x0;
	s7 =	sand.u32 $0x1, s4;
	s28 =	smul.u32 $0x2710, s1  }
0x8: {  	[smem:$0x7FF] =	sst s3;
	s4 =	sadd.s32 $0x5CE00, s6;
	s10 =	smul.u32 $0x28000, s7  }
0x9: {  	s5 =	sadd.s32 $0x5C800, s6;
	s12 =	smul.u32 $0x27100, s7;
	s7 =	ssub.s32 $0x2, s7  }
0xa: {  	s31 =	sshll.u32 s1, $0x6;
	_ =	strace $0x8000004A;
	s29 =	sshrl.u32 s7, $0x1  }
0xb: {  	s11 =	sshrl.u32 s11, $0x2;
	s9 =	sadd.s32 s9, s10;
	s7 =	ssub.s32 s7, s29  }
0xc: {  	s13 =	sadd.s32 s11, s2;
	s30 =	sadd.s32 s28, s12;
	s10 =	simm.s32 $0x1  }
0xd: {  	s11 =	sor.u32 $0x1C01, s31;
	s6 =	sadd.s32 s9, s6;
	s7 =	smax.u32 s7, $0x1  }
0xe: {  	s9 =	sshrl.u32 s30, $0x3;
	s12 =	sshrl.u32 s13, $0x3;
	s13 =	simm.s32 $0x2800  }
0xf: {  	s6 =	sadd.s32 $0x5F600, s6;
	s8 =	sadd.s32 s9, s8;
	s9 =	simm.s32 $0x2880  }
.LBB2_1:
0x10: {  	[tilespmem:s9], [sflag:$0x1] =	stream.linear.gather [hbm4b:s5+s3], $0x2800, $0x38;
	[tilespmem:$0x5080] =	vst v63  }
0x11: {  	_ =	swait.ge [sflag:s10], $0x2800  }
0x12: {  	[sflag:s10] =	ssyncset.done $0x0  }
0x13: {  	[sflag:s10] =	ssyncadd.s32 $0xFFFFD800  }
0x14: {  	[spmem:s12], [sflag:s11] =	dma.local [hbm:s4], $0x2800  }
0x15: {  	_ =	swait.ge [sflag:s10], $0x2800  }
0x16: {  	[sflag:s10] =	ssyncset.done $0x0  }
0x17: {  	[sflag:s10] =	ssyncadd.s32 $0xFFFFD800  }
0x18: {  	s16 =	sadd.s32 $0x0, s8;
	[bflag:$0x0] =	sbarrier.arrive $0xFFFF  }
0x19: {  	[tilespmem:s13], [sflag:$0x1] =	stream.linear.gather [hbm4b:s16+s3], $0x50, $0x38;
	[tilespmem:$0x5080] =	vst v63  }
0x1a: {  	_ =	swait.ge [sflag:s10], $0x50  }
0x1b: {  	[sflag:s10] =	ssyncset.done $0x0  }
0x1c: {  	[sflag:s10] =	ssyncadd.s32 $0xFFFFFFB0  }
0x1d: {  	[spmem:s2] =	stream.indirect.scatter.add.f32 [tilespmem:s9], [sflag:$0x1], $0x10, s13, s14, $0xb8;
	[tilespmem:$0x5080] =	vst v63  }
0x1e: {  	_ =	swait.ge [sflag:s10], $0x500  }
0x1f: {  	s17 =	simm.s32 $0x14;
	s16 =	simm.s32 $0xA;
	[sflag:s10] =	ssyncset.done $0x0  }
.LBB2_2:
0x20: {  	s18 =	sadd.s32 s16, s8  }
0x21: {  	[sflag:s10] =	ssyncadd.s32 $0xFFFFFB00;
	s16 =	smov.u32 s17;
	s19 =	sadd.s32 $0xA, s17  }
0x22: {  	[tilespmem:s13], [sflag:$0x1] =	stream.linear.gather [hbm4b:s18+s3], $0x50, $0x38;
	[tilespmem:$0x5080] =	vst v63  }
0x23: {  	p0 =	sne.s32 s17, $0x4D8;
	_ =	swait.ge [sflag:s10], $0x50  }
.Ltmp0:
0x24: {  	[sflag:s10] =	ssyncset.done $0x0;
	(pc) =	sbr.rel @p0 .LBB2_2-.Ltmp0, $4  }
0x25: {  	[sflag:s10] =	ssyncadd.s32 $0xFFFFFFB0  }
0x26: {  	[spmem:s2] =	stream.indirect.scatter.add.f32 [tilespmem:s9], [sflag:$0x1], $0x10, s13, s14, $0xb8;
	[tilespmem:$0x5080] =	vst v63  }
0x27: {  	_ =	swait.ge [sflag:s10], $0x500  }
0x28: {  	s17 =	smov.u32 s19;
	[sflag:s10] =	ssyncset.done $0x0  }
0x29: {  	s16 =	sadd.s32 s16, s8;
	[sflag:s10] =	ssyncadd.s32 $0xFFFFFB00  }
0x2a: {  	[tilespmem:s13], [sflag:$0x1] =	stream.linear.gather [hbm4b:s16+s3], $0x50, $0x38;
	[tilespmem:$0x5080] =	vst v63  }
0x2b: {  	_ =	swait.ge [sflag:s10], $0x50  }
0x2c: {  	[sflag:s10] =	ssyncset.done $0x0  }
0x2d: {  	[sflag:s10] =	ssyncadd.s32 $0xFFFFFFB0  }
0x2e: {  	[spmem:s2] =	stream.indirect.scatter.add.f32 [tilespmem:s9], [sflag:$0x1], $0x10, s13, s14, $0xb8;
	[tilespmem:$0x5080] =	vst v63  }
0x2f: {  	_ =	swait.ge [sflag:s10], $0x500  }
0x30: {  	s15 =	sadd.s32 $0x1, s15;
	[sflag:s10] =	ssyncset.done $0x0  }
0x31: {  	p0 =	sne.s32 s15, s7;
	[sflag:s10] =	ssyncadd.s32 $0xFFFFFB00  }
.Ltmp1:
0x32: {  	[bflag:$0x0] =	sbarrier.arrive $0xFFFF;
	(pc) =	sbr.rel @p0 .LBB2_1-.Ltmp1, $4  }
0x33: {  	[hbm:s6], [sflag:s11] =	dma.local [spmem:s12], $0x2800  }
0x34: {  	_ =	swait.ge [sflag:s10], $0x2800  }
0x35: {  	[sflag:s10] =	ssyncset.done $0x0  }
0x36: {  	[sflag:s10] =	ssyncadd.s32 $0xFFFFD800  }
0x37: {  	_ =	sfence.sel $0x180000  }
0x38: {  	[bflag:$0x0] =	sbarrier.arrive $0xFFFF  }
0x39: {  	p0 =	sne.s32 s1, $0x0;
	_ =	strace $0x9000004A  }
0x3a: {  	s0 =	sadd.s32 @!p0 $0x100000, s0;
	[bflag:$0x2] =	sbarrier.arrive $0xFFFF  }
0x3b: {  	[sflag:s0] =	ssyncadd.tile.s32 @!p0 $0x1;
	_ =	shalt  }
.Lfunc_end2:
_tile_overlayer_lowered:
.L_overlay_start_2:
0x3c: {  	(tag) =	ssettag $0x2  }
0x3d: {  	s0 =	rddreg [dreg:$0x0];
	s2 =	stileid.u32  }
0x3e: {  	s1 =	rddreg [dreg:$0x1];
	p0 =	sne.s32 s2, $0x0  }
0x3f: {  	s3 =	rddreg [dreg:$0x2];
	[bflag:$0x3] =	sbarrier.arrive $0xFFFF;
	s2 =	simm.s32 @!p0 $0x1C01  }
0x40: {  	[timem:s3], [sflag:s2] =	dma.local @!p0 [hbm:s0], s1  }
0x41: {  	s0 =	simm.s32 @!p0 $0x1  }
0x42: {  	_ =	swait.ge @!p0 [sflag:s0], s1  }
0x43: {  	s1 =	ssub.s32 @!p0 $0x0, s1;
	[sflag:s0] =	ssyncset.done @!p0 $0x0  }
0x44: {  	[sflag:s0] =	ssyncadd.s32 @!p0 s1  }
0x45: {  	[bflag:$0x3] =	sbarrier.arrive $0xFFFF  }
0x46: {  	_ =	shalt  }

</sc_bundles>
